<compile_context>
chip_gen: v7x
topology: tpu7x:2x2x1
jax: 0.10.2.dev20260603
libtpu: 0.0.44.dev20260713+nightly
codegen_flags: <defaults>
</compile_context>

<pallas_src>
import functools

import jax
import jax.numpy as jnp
from jax import lax
from jax.experimental import pallas as pl
from jax.experimental.pallas import tpu as pltpu
from jax.experimental.pallas import tpu_sc as plsc

DIM = 65
DPAD = 128
K = 1024
ALPHA = 0.1
EPS = 1e-7
BLK_A = 2048
BLK_C = 2048

NW = 32
GCH = 128


def _phase1_kernel(x_ref, a_ref, idx_ref, p_ref, q_ref,
                   tab_ref, aflip_ref, rev_ref):
    @pl.when(pl.program_id(0) == 0)
    def _():
        a_s = a_ref[:, 1:]
        a_t = jnp.sqrt(1.0 + jnp.sum(a_s * a_s, axis=1, keepdims=True))
        pad = jnp.zeros((a_ref.shape[0], DPAD - DIM), jnp.float32)
        tab_ref[...] = jnp.concatenate([a_t, a_s, pad], axis=1)
        aflip_ref[...] = jnp.concatenate([-a_t, a_s], axis=1)
        rev_ref[...] = (
            (K - 1)
            - jax.lax.broadcasted_iota(jnp.int32, (K, 128), 0)
        ).astype(jnp.float32)

    x = x_ref[...]
    innerT = jax.lax.dot_general(
        aflip_ref[...], x, (((1,), (1,)), ((), ())),
        preferred_element_type=jnp.float32)
    m = jnp.max(innerT, axis=0, keepdims=True)
    rev = jnp.broadcast_to(rev_ref[:, :1], innerT.shape)
    cand = jnp.where(innerT >= m, rev, -1.0)
    idx = (float(K - 1) - jnp.max(cand, axis=0, keepdims=True)
           ).astype(jnp.int32)

    alpha_ = jnp.maximum(-m, 1.0 + EPS)
    am1 = alpha_ * alpha_ - 1.0
    d = jnp.log(alpha_ + jnp.sqrt(jnp.maximum(am1, 0.0)))
    sinh_d = jnp.sqrt(jnp.maximum(am1, EPS))
    c = ALPHA * d / sinh_d
    vn = jnp.sqrt(jnp.maximum(c * c * am1, EPS))
    e = jnp.exp(vn)
    einv = 1.0 / e
    q = (0.5 * (e - einv) / vn) * c
    p = 0.5 * (e + einv) - q * alpha_

    idx_ref[...] = idx.reshape(BLK_A // 128, 128)
    p_ref[...] = p
    q_ref[...] = q


def _tail_kernel(x_ref, y_ref, p_ref, q_ref, out_ref):
    p = jnp.transpose(p_ref[...])
    q = jnp.transpose(q_ref[...])
    out_ref[...] = p * x_ref[...] + q * y_ref[:, :DIM]


def _make_sc_gather(b):
    b_per_w = b // NW
    n_chunks = b_per_w // GCH
    mesh = plsc.VectorSubcoreMesh(core_axis_name="c", subcore_axis_name="s")

    nbuf = 6

    @functools.partial(
        pl.kernel, mesh=mesh,
        out_type=jax.ShapeDtypeStruct((b, DPAD), jnp.float32),
        scratch_types=(
            [pltpu.VMEM((b_per_w,), jnp.int32)]
            + [pltpu.VMEM((GCH, DPAD), jnp.float32) for _ in range(nbuf)]
            + [pltpu.SemaphoreType.DMA for _ in range(2 * nbuf)]
        ),
    )
    def gather(table_hbm, idx_hbm, out_hbm, idx_v, *rest):
        bufs = rest[:nbuf]
        gsems = rest[nbuf:2 * nbuf]
        dsems = rest[2 * nbuf:]
        wid = lax.axis_index("s") * 2 + lax.axis_index("c")
        base = wid * b_per_w
        pltpu.sync_copy(idx_hbm.at[pl.ds(base, b_per_w)], idx_v)

        def fire(ch):
            return pltpu.async_copy(
                table_hbm.at[idx_v.at[pl.ds(ch * GCH, GCH)]],
                bufs[ch % nbuf], gsems[ch % nbuf])

        gathers = [fire(ch) for ch in range(nbuf)]
        drains = []
        for ch in range(n_chunks):
            gathers[ch].wait()
            drains.append(pltpu.async_copy(
                bufs[ch % nbuf],
                out_hbm.at[pl.ds(base + ch * GCH, GCH)],
                dsems[ch % nbuf]))
            if ch + nbuf < n_chunks:
                drains[ch].wait()
                gathers.append(fire(ch + nbuf))
        for ch in range(n_chunks - nbuf, n_chunks):
            drains[ch].wait()

    return gather


def _phase1(x, anchors):
    b = x.shape[0]
    nb = b // BLK_A
    rows = b // 128
    rpb = BLK_A // 128
    return pl.pallas_call(
        _phase1_kernel,
        grid=(nb,),
        in_specs=[
            pl.BlockSpec((BLK_A, DIM), lambda i: (i, 0)),
            pl.BlockSpec((K, DIM), lambda i: (0, 0)),
        ],
        out_specs=[
            pl.BlockSpec((rpb, 128), lambda i: (i, 0)),
            pl.BlockSpec((1, BLK_A), lambda i: (0, i)),
            pl.BlockSpec((1, BLK_A), lambda i: (0, i)),
            pl.BlockSpec((K, DPAD), lambda i: (0, 0)),
        ],
        out_shape=[
            jax.ShapeDtypeStruct((rows, 128), jnp.int32),
            jax.ShapeDtypeStruct((1, b), jnp.float32),
            jax.ShapeDtypeStruct((1, b), jnp.float32),
            jax.ShapeDtypeStruct((K, DPAD), jnp.float32),
        ],
        scratch_shapes=[
            pltpu.VMEM((K, DIM), jnp.float32),
            pltpu.VMEM((K, 128), jnp.float32),
        ],
    )(x, anchors)


def _tail(x, y_pad, p2, q2):
    return pl.pallas_call(
        _tail_kernel,
        grid=(x.shape[0] // BLK_C,),
        in_specs=[
            pl.BlockSpec((BLK_C, DIM), lambda i: (i, 0)),
            pl.BlockSpec((BLK_C, DPAD), lambda i: (i, 0)),
            pl.BlockSpec((1, BLK_C), lambda i: (0, i)),
            pl.BlockSpec((1, BLK_C), lambda i: (0, i)),
        ],
        out_specs=pl.BlockSpec((BLK_C, DIM), lambda i: (i, 0)),
        out_shape=jax.ShapeDtypeStruct(x.shape, x.dtype),
    )(x, y_pad, p2, q2)


def kernel(x, anchors):
    b = x.shape[0]
    h = b // 2
    x1, x2 = x[:h], x[h:]
    idx1, p1, q1, table = _phase1(x1, anchors)
    y1 = _make_sc_gather(h)(table, idx1.reshape(h))
    idx2, p2, q2, _ = _phase1(x2, anchors)
    y2 = _make_sc_gather(h)(table, idx2.reshape(h))
    o1 = _tail(x1, y1, p1, q1)
    o2 = _tail(x2, y2, p2, q2)
    return jnp.concatenate([o1, o2], axis=0)

# --- scband reference (transcript-rebuilt; emitter-appended) ---
"""Pipeline reference for scband-homeostatic-field-25615184953595 (READ-ONLY COPY).

The authoritative reference and input builder live on the scoring server;
editing this copy changes nothing except your own understanding.
"""

import jax, jax.numpy as jnp
import numpy as np

N_SPATIAL = 64
N_ANCHORS = 1024
ALPHA = 0.1
B = 65536
EPS = 1e-7


def _project(p):
    # Recompute time component so the point lies on the hyperboloid <x,x>_L = -1
    s = p[..., 1:]
    t = jnp.sqrt(1.0 + jnp.sum(s * s, axis=-1, keepdims=True))
    return jnp.concatenate([t, s], axis=-1)


def setup_inputs(seed: int = 0) -> dict:
    key = jax.random.key(seed)
    k1, k2 = jax.random.split(key)
    # x per input_specs: randn [B, 65], then projected onto the manifold (time comp recomputed)
    x_raw = jax.random.normal(k1, (B, N_SPATIAL + 1), dtype=jnp.float32) * 0.5
    x = _project(x_raw)
    # learnable anchors, initialized near the origin exactly as in __init__
    a_s = jax.random.normal(k2, (N_ANCHORS, N_SPATIAL), dtype=jnp.float32) * 0.01
    a_t = jnp.sqrt(1.0 + jnp.sum(a_s * a_s, axis=1, keepdims=True))
    anchors = jnp.concatenate([a_t, a_s], axis=-1)
    return {"x": x, "anchors": anchors}


def reference(x, anchors):
    # substrate.proj(anchors)
    anchors_fixed = _project(anchors)
    # distance_matrix_points: d(x, a) = arccosh(-<x,a>_L), <x,a>_L = -x0*a0 + xs.as
    inner = x[:, 1:] @ anchors_fixed[:, 1:].T - x[:, :1] * anchors_fixed[:, :1].T  # [B, K]
    neg_inner = jnp.clip(-inner, 1.0 + EPS, None)
    dists = jnp.arccosh(neg_inner)
    # nearest anchor per point
    nearest_idx = jnp.argmin(dists, axis=1)  # [B]
    y = jnp.take(anchors_fixed, nearest_idx, axis=0)  # [B, 65]
    # log_map(x, y): u = y + <x,y>_L x ; log = d * u / sinh(d)
    alpha_ = jnp.clip(x[:, 0] * y[:, 0] - jnp.sum(x[:, 1:] * y[:, 1:], axis=-1), 1.0 + EPS, None)  # -<x,y>_L
    d = jnp.arccosh(alpha_)
    u = y - alpha_[:, None] * x
    sinh_d = jnp.sqrt(jnp.clip(alpha_ * alpha_ - 1.0, EPS, None))
    direction = (d / sinh_d)[:, None] * u
    # exp_map(x, alpha * direction)
    v = ALPHA * direction
    vn2 = jnp.sum(v[:, 1:] * v[:, 1:], axis=-1) - v[:, 0] * v[:, 0]
    vn = jnp.sqrt(jnp.clip(vn2, EPS, None))
    out = jnp.cosh(vn)[:, None] * x + (jnp.sinh(vn) / vn)[:, None] * v
    return out

if __name__ == "__main__":
    import jax
    _d = setup_inputs()
    print(jax.jit(kernel)(*tuple(_d.values())))

</pallas_src>

<mosaic_0001>
#map = affine_map<(d0, d1) -> (0, 0)>
#map1 = affine_map<(d0, d1) -> (0)>
module attributes {stable_mosaic.version = 14 : i64} {
  func.func @gather(%arg0: i32, %arg1: i32, %arg2: memref<1024x128xf32, #tpu.memory_space<hbm>>, %arg3: memref<32768xi32, #tpu.memory_space<hbm>>, %arg4: memref<32768x128xf32, #tpu.memory_space<hbm>>, %arg5: memref<1024xi32, #tpu.memory_space<vmem>>, %arg6: memref<128x128xf32, #tpu.memory_space<vmem>>, %arg7: memref<128x128xf32, #tpu.memory_space<vmem>>, %arg8: memref<128x128xf32, #tpu.memory_space<vmem>>, %arg9: memref<128x128xf32, #tpu.memory_space<vmem>>, %arg10: memref<128x128xf32, #tpu.memory_space<vmem>>, %arg11: memref<128x128xf32, #tpu.memory_space<vmem>>, %arg12: memref<!tpu.dma_semaphore, #tpu.memory_space<semaphore_mem>>, %arg13: memref<!tpu.dma_semaphore, #tpu.memory_space<semaphore_mem>>, %arg14: memref<!tpu.dma_semaphore, #tpu.memory_space<semaphore_mem>>, %arg15: memref<!tpu.dma_semaphore, #tpu.memory_space<semaphore_mem>>, %arg16: memref<!tpu.dma_semaphore, #tpu.memory_space<semaphore_mem>>, %arg17: memref<!tpu.dma_semaphore, #tpu.memory_space<semaphore_mem>>, %arg18: memref<!tpu.dma_semaphore, #tpu.memory_space<semaphore_mem>>, %arg19: memref<!tpu.dma_semaphore, #tpu.memory_space<semaphore_mem>>, %arg20: memref<!tpu.dma_semaphore, #tpu.memory_space<semaphore_mem>>, %arg21: memref<!tpu.dma_semaphore, #tpu.memory_space<semaphore_mem>>, %arg22: memref<!tpu.dma_semaphore, #tpu.memory_space<semaphore_mem>>, %arg23: memref<!tpu.dma_semaphore, #tpu.memory_space<semaphore_mem>>) attributes {dimension_semantics = [#tpu.dimension_semantics<core_parallel>, #tpu.dimension_semantics<subcore_parallel>], iteration_bounds = array<i64: 2, 16>, scalar_prefetch = 0 : i64, scratch_operands = 19 : i64, tpu.core_type = #tpu.core_type<sc_vector_subcore>, window_params = [{transform_indices = #map}, {transform_indices = #map1}, {transform_indices = #map}]} {
    %mul3A = arith.constant 2 : i32
    %mul3A_0 = arith.muli %arg1, %mul3A : i32
    %add3A = arith.addi %mul3A_0, %arg0 : i32
    %mul3A_1 = arith.constant 1024 : i32
    %mul3A_2 = arith.muli %add3A, %mul3A_1 : i32
    "tpu.region"() ({
      %run_scoped3A = tpu.sem_alloc : memref<!tpu.dma_semaphore, #tpu.memory_space<semaphore_mem>>
      %dma_start3A_161 = tpu.memref_slice %arg3[%mul3A_2] : memref<32768xi32, #tpu.memory_space<hbm>> -> memref<1024xi32, #tpu.memory_space<hbm>>
      %dma_start3A_162 = tpu.memref_slice %arg3[%mul3A_2] : memref<32768xi32, #tpu.memory_space<hbm>> -> memref<1024xi32, #tpu.memory_space<hbm>>
      tpu.enqueue_dma source(%dma_start3A_162 : memref<1024xi32, #tpu.memory_space<hbm>>) target(%arg5 : memref<1024xi32, #tpu.memory_space<vmem>>) target_semaphore(%run_scoped3A : memref<!tpu.dma_semaphore, #tpu.memory_space<semaphore_mem>>)
      %dma_wait3A_163 = tpu.memref_slice %arg3[%mul3A_2] : memref<32768xi32, #tpu.memory_space<hbm>> -> memref<1024xi32, #tpu.memory_space<hbm>>
      %dma_wait3A_164 = tpu.memref_slice %arg3[%mul3A_2] : memref<32768xi32, #tpu.memory_space<hbm>> -> memref<1024xi32, #tpu.memory_space<hbm>>
      tpu.wait_dma2 semaphore(%run_scoped3A : memref<!tpu.dma_semaphore, #tpu.memory_space<semaphore_mem>>) src(%dma_wait3A_164 : memref<1024xi32, #tpu.memory_space<hbm>>) dst(%arg5 : memref<1024xi32, #tpu.memory_space<vmem>>)
      tpu.yield
    }) : () -> ()
    %dma_start3A = arith.constant 0 : i32
    %dma_start3A_3 = tpu.memref_slice %arg5[%dma_start3A] : memref<1024xi32, #tpu.memory_space<vmem>> -> memref<128xi32, #tpu.memory_space<vmem>>
    %dma_start3A_4 = arith.constant 0 : i32
    %dma_start3A_5 = arith.constant 0 : i32
    %dma_start3A_6 = tpu.memref_slice %arg2[%dma_start3A_4, %dma_start3A_5] : memref<1024x128xf32, #tpu.memory_space<hbm>> -> memref<1024x128xf32, #tpu.memory_space<hbm>>
    tpu.enqueue_indirect_dma source(%dma_start3A_6 : memref<1024x128xf32, #tpu.memory_space<hbm>>) target(%arg6 : memref<128x128xf32, #tpu.memory_space<vmem>>) offsets(%dma_start3A_3 : memref<128xi32, #tpu.memory_space<vmem>>) semaphore(%arg12 : memref<!tpu.dma_semaphore, #tpu.memory_space<semaphore_mem>>)
    %dma_start3A_7 = arith.constant 128 : i32
    %dma_start3A_8 = tpu.memref_slice %arg5[%dma_start3A_7] : memref<1024xi32, #tpu.memory_space<vmem>> -> memref<128xi32, #tpu.memory_space<vmem>>
    %dma_start3A_9 = arith.constant 0 : i32
    %dma_start3A_10 = arith.constant 0 : i32
    %dma_start3A_11 = tpu.memref_slice %arg2[%dma_start3A_9, %dma_start3A_10] : memref<1024x128xf32, #tpu.memory_space<hbm>> -> memref<1024x128xf32, #tpu.memory_space<hbm>>
    tpu.enqueue_indirect_dma source(%dma_start3A_11 : memref<1024x128xf32, #tpu.memory_space<hbm>>) target(%arg7 : memref<128x128xf32, #tpu.memory_space<vmem>>) offsets(%dma_start3A_8 : memref<128xi32, #tpu.memory_space<vmem>>) semaphore(%arg13 : memref<!tpu.dma_semaphore, #tpu.memory_space<semaphore_mem>>)
    %dma_start3A_12 = arith.constant 256 : i32
    %dma_start3A_13 = tpu.memref_slice %arg5[%dma_start3A_12] : memref<1024xi32, #tpu.memory_space<vmem>> -> memref<128xi32, #tpu.memory_space<vmem>>
    %dma_start3A_14 = arith.constant 0 : i32
    %dma_start3A_15 = arith.constant 0 : i32
    %dma_start3A_16 = tpu.memref_slice %arg2[%dma_start3A_14, %dma_start3A_15] : memref<1024x128xf32, #tpu.memory_space<hbm>> -> memref<1024x128xf32, #tpu.memory_space<hbm>>
    tpu.enqueue_indirect_dma source(%dma_start3A_16 : memref<1024x128xf32, #tpu.memory_space<hbm>>) target(%arg8 : memref<128x128xf32, #tpu.memory_space<vmem>>) offsets(%dma_start3A_13 : memref<128xi32, #tpu.memory_space<vmem>>) semaphore(%arg14 : memref<!tpu.dma_semaphore, #tpu.memory_space<semaphore_mem>>)
    %dma_start3A_17 = arith.constant 384 : i32
    %dma_start3A_18 = tpu.memref_slice %arg5[%dma_start3A_17] : memref<1024xi32, #tpu.memory_space<vmem>> -> memref<128xi32, #tpu.memory_space<vmem>>
    %dma_start3A_19 = arith.constant 0 : i32
    %dma_start3A_20 = arith.constant 0 : i32
    %dma_start3A_21 = tpu.memref_slice %arg2[%dma_start3A_19, %dma_start3A_20] : memref<1024x128xf32, #tpu.memory_space<hbm>> -> memref<1024x128xf32, #tpu.memory_space<hbm>>
    tpu.enqueue_indirect_dma source(%dma_start3A_21 : memref<1024x128xf32, #tpu.memory_space<hbm>>) target(%arg9 : memref<128x128xf32, #tpu.memory_space<vmem>>) offsets(%dma_start3A_18 : memref<128xi32, #tpu.memory_space<vmem>>) semaphore(%arg15 : memref<!tpu.dma_semaphore, #tpu.memory_space<semaphore_mem>>)
    %dma_start3A_22 = arith.constant 512 : i32
    %dma_start3A_23 = tpu.memref_slice %arg5[%dma_start3A_22] : memref<1024xi32, #tpu.memory_space<vmem>> -> memref<128xi32, #tpu.memory_space<vmem>>
    %dma_start3A_24 = arith.constant 0 : i32
    %dma_start3A_25 = arith.constant 0 : i32
    %dma_start3A_26 = tpu.memref_slice %arg2[%dma_start3A_24, %dma_start3A_25] : memref<1024x128xf32, #tpu.memory_space<hbm>> -> memref<1024x128xf32, #tpu.memory_space<hbm>>
    tpu.enqueue_indirect_dma source(%dma_start3A_26 : memref<1024x128xf32, #tpu.memory_space<hbm>>) target(%arg10 : memref<128x128xf32, #tpu.memory_space<vmem>>) offsets(%dma_start3A_23 : memref<128xi32, #tpu.memory_space<vmem>>) semaphore(%arg16 : memref<!tpu.dma_semaphore, #tpu.memory_space<semaphore_mem>>)
    %dma_start3A_27 = arith.constant 640 : i32
    %dma_start3A_28 = tpu.memref_slice %arg5[%dma_start3A_27] : memref<1024xi32, #tpu.memory_space<vmem>> -> memref<128xi32, #tpu.memory_space<vmem>>
    %dma_start3A_29 = arith.constant 0 : i32
    %dma_start3A_30 = arith.constant 0 : i32
    %dma_start3A_31 = tpu.memref_slice %arg2[%dma_start3A_29, %dma_start3A_30] : memref<1024x128xf32, #tpu.memory_space<hbm>> -> memref<1024x128xf32, #tpu.memory_space<hbm>>
    tpu.enqueue_indirect_dma source(%dma_start3A_31 : memref<1024x128xf32, #tpu.memory_space<hbm>>) target(%arg11 : memref<128x128xf32, #tpu.memory_space<vmem>>) offsets(%dma_start3A_28 : memref<128xi32, #tpu.memory_space<vmem>>) semaphore(%arg17 : memref<!tpu.dma_semaphore, #tpu.memory_space<semaphore_mem>>)
    %dma_wait3A = arith.constant 0 : i32
    %dma_wait3A_32 = tpu.memref_slice %arg5[%dma_wait3A] : memref<1024xi32, #tpu.memory_space<vmem>> -> memref<128xi32, #tpu.memory_space<vmem>>
    %dma_wait3A_33 = arith.constant 0 : i32
    %dma_wait3A_34 = arith.constant 0 : i32
    %dma_wait3A_35 = tpu.memref_slice %arg2[%dma_wait3A_33, %dma_wait3A_34] : memref<1024x128xf32, #tpu.memory_space<hbm>> -> memref<1024x128xf32, #tpu.memory_space<hbm>>
    tpu.wait_indirect_dma semaphore(%arg12 : memref<!tpu.dma_semaphore, #tpu.memory_space<semaphore_mem>>) src(%dma_wait3A_35 : memref<1024x128xf32, #tpu.memory_space<hbm>>) dst(%arg6 : memref<128x128xf32, #tpu.memory_space<vmem>>)
    %add3A_36 = arith.constant 0 : i32
    %add3A_37 = arith.addi %mul3A_2, %add3A_36 : i32
    %dma_start3A_38 = arith.constant 0 : i32
    %dma_start3A_39 = tpu.memref_slice %arg4[%add3A_37, %dma_start3A_38] : memref<32768x128xf32, #tpu.memory_space<hbm>> -> memref<128x128xf32, #tpu.memory_space<hbm>>
    %dma_start3A_40 = arith.constant 0 : i32
    %dma_start3A_41 = tpu.memref_slice %arg4[%add3A_37, %dma_start3A_40] : memref<32768x128xf32, #tpu.memory_space<hbm>> -> memref<128x128xf32, #tpu.memory_space<hbm>>
    tpu.enqueue_dma source(%arg6 : memref<128x128xf32, #tpu.memory_space<vmem>>) target(%dma_start3A_41 : memref<128x128xf32, #tpu.memory_space<hbm>>) target_semaphore(%arg18 : memref<!tpu.dma_semaphore, #tpu.memory_space<semaphore_mem>>)
    %dma_wait3A_42 = arith.constant 0 : i32
    %dma_wait3A_43 = tpu.memref_slice %arg4[%add3A_37, %dma_wait3A_42] : memref<32768x128xf32, #tpu.memory_space<hbm>> -> memref<128x128xf32, #tpu.memory_space<hbm>>
    %dma_wait3A_44 = arith.constant 0 : i32
    %dma_wait3A_45 = tpu.memref_slice %arg4[%add3A_37, %dma_wait3A_44] : memref<32768x128xf32, #tpu.memory_space<hbm>> -> memref<128x128xf32, #tpu.memory_space<hbm>>
    tpu.wait_dma2 semaphore(%arg18 : memref<!tpu.dma_semaphore, #tpu.memory_space<semaphore_mem>>) src(%arg6 : memref<128x128xf32, #tpu.memory_space<vmem>>) dst(%dma_wait3A_45 : memref<128x128xf32, #tpu.memory_space<hbm>>)
    %dma_start3A_46 = arith.constant 768 : i32
    %dma_start3A_47 = tpu.memref_slice %arg5[%dma_start3A_46] : memref<1024xi32, #tpu.memory_space<vmem>> -> memref<128xi32, #tpu.memory_space<vmem>>
    %dma_start3A_48 = arith.constant 0 : i32
    %dma_start3A_49 = arith.constant 0 : i32
    %dma_start3A_50 = tpu.memref_slice %arg2[%dma_start3A_48, %dma_start3A_49] : memref<1024x128xf32, #tpu.memory_space<hbm>> -> memref<1024x128xf32, #tpu.memory_space<hbm>>
    tpu.enqueue_indirect_dma source(%dma_start3A_50 : memref<1024x128xf32, #tpu.memory_space<hbm>>) target(%arg6 : memref<128x128xf32, #tpu.memory_space<vmem>>) offsets(%dma_start3A_47 : memref<128xi32, #tpu.memory_space<vmem>>) semaphore(%arg12 : memref<!tpu.dma_semaphore, #tpu.memory_space<semaphore_mem>>)
    %dma_wait3A_51 = arith.constant 128 : i32
    %dma_wait3A_52 = tpu.memref_slice %arg5[%dma_wait3A_51] : memref<1024xi32, #tpu.memory_space<vmem>> -> memref<128xi32, #tpu.memory_space<vmem>>
    %dma_wait3A_53 = arith.constant 0 : i32
    %dma_wait3A_54 = arith.constant 0 : i32
    %dma_wait3A_55 = tpu.memref_slice %arg2[%dma_wait3A_53, %dma_wait3A_54] : memref<1024x128xf32, #tpu.memory_space<hbm>> -> memref<1024x128xf32, #tpu.memory_space<hbm>>
    tpu.wait_indirect_dma semaphore(%arg13 : memref<!tpu.dma_semaphore, #tpu.memory_space<semaphore_mem>>) src(%dma_wait3A_55 : memref<1024x128xf32, #tpu.memory_space<hbm>>) dst(%arg7 : memref<128x128xf32, #tpu.memory_space<vmem>>)
    %add3A_56 = arith.constant 128 : i32
    %add3A_57 = arith.addi %mul3A_2, %add3A_56 : i32
    %dma_start3A_58 = arith.constant 0 : i32
    %dma_start3A_59 = tpu.memref_slice %arg4[%add3A_57, %dma_start3A_58] : memref<32768x128xf32, #tpu.memory_space<hbm>> -> memref<128x128xf32, #tpu.memory_space<hbm>>
    %dma_start3A_60 = arith.constant 0 : i32
    %dma_start3A_61 = tpu.memref_slice %arg4[%add3A_57, %dma_start3A_60] : memref<32768x128xf32, #tpu.memory_space<hbm>> -> memref<128x128xf32, #tpu.memory_space<hbm>>
    tpu.enqueue_dma source(%arg7 : memref<128x128xf32, #tpu.memory_space<vmem>>) target(%dma_start3A_61 : memref<128x128xf32, #tpu.memory_space<hbm>>) target_semaphore(%arg19 : memref<!tpu.dma_semaphore, #tpu.memory_space<semaphore_mem>>)
    %dma_wait3A_62 = arith.constant 0 : i32
    %dma_wait3A_63 = tpu.memref_slice %arg4[%add3A_57, %dma_wait3A_62] : memref<32768x128xf32, #tpu.memory_space<hbm>> -> memref<128x128xf32, #tpu.memory_space<hbm>>
    %dma_wait3A_64 = arith.constant 0 : i32
    %dma_wait3A_65 = tpu.memref_slice %arg4[%add3A_57, %dma_wait3A_64] : memref<32768x128xf32, #tpu.memory_space<hbm>> -> memref<128x128xf32, #tpu.memory_space<hbm>>
    tpu.wait_dma2 semaphore(%arg19 : memref<!tpu.dma_semaphore, #tpu.memory_space<semaphore_mem>>) src(%arg7 : memref<128x128xf32, #tpu.memory_space<vmem>>) dst(%dma_wait3A_65 : memref<128x128xf32, #tpu.memory_space<hbm>>)
    %dma_start3A_66 = arith.constant 896 : i32
    %dma_start3A_67 = tpu.memref_slice %arg5[%dma_start3A_66] : memref<1024xi32, #tpu.memory_space<vmem>> -> memref<128xi32, #tpu.memory_space<vmem>>
    %dma_start3A_68 = arith.constant 0 : i32
    %dma_start3A_69 = arith.constant 0 : i32
    %dma_start3A_70 = tpu.memref_slice %arg2[%dma_start3A_68, %dma_start3A_69] : memref<1024x128xf32, #tpu.memory_space<hbm>> -> memref<1024x128xf32, #tpu.memory_space<hbm>>
    tpu.enqueue_indirect_dma source(%dma_start3A_70 : memref<1024x128xf32, #tpu.memory_space<hbm>>) target(%arg7 : memref<128x128xf32, #tpu.memory_space<vmem>>) offsets(%dma_start3A_67 : memref<128xi32, #tpu.memory_space<vmem>>) semaphore(%arg13 : memref<!tpu.dma_semaphore, #tpu.memory_space<semaphore_mem>>)
    %dma_wait3A_71 = arith.constant 256 : i32
    %dma_wait3A_72 = tpu.memref_slice %arg5[%dma_wait3A_71] : memref<1024xi32, #tpu.memory_space<vmem>> -> memref<128xi32, #tpu.memory_space<vmem>>
    %dma_wait3A_73 = arith.constant 0 : i32
    %dma_wait3A_74 = arith.constant 0 : i32
    %dma_wait3A_75 = tpu.memref_slice %arg2[%dma_wait3A_73, %dma_wait3A_74] : memref<1024x128xf32, #tpu.memory_space<hbm>> -> memref<1024x128xf32, #tpu.memory_space<hbm>>
    tpu.wait_indirect_dma semaphore(%arg14 : memref<!tpu.dma_semaphore, #tpu.memory_space<semaphore_mem>>) src(%dma_wait3A_75 : memref<1024x128xf32, #tpu.memory_space<hbm>>) dst(%arg8 : memref<128x128xf32, #tpu.memory_space<vmem>>)
    %add3A_76 = arith.constant 256 : i32
    %add3A_77 = arith.addi %mul3A_2, %add3A_76 : i32
    %dma_start3A_78 = arith.constant 0 : i32
    %dma_start3A_79 = tpu.memref_slice %arg4[%add3A_77, %dma_start3A_78] : memref<32768x128xf32, #tpu.memory_space<hbm>> -> memref<128x128xf32, #tpu.memory_space<hbm>>
    %dma_start3A_80 = arith.constant 0 : i32
    %dma_start3A_81 = tpu.memref_slice %arg4[%add3A_77, %dma_start3A_80] : memref<32768x128xf32, #tpu.memory_space<hbm>> -> memref<128x128xf32, #tpu.memory_space<hbm>>
    tpu.enqueue_dma source(%arg8 : memref<128x128xf32, #tpu.memory_space<vmem>>) target(%dma_start3A_81 : memref<128x128xf32, #tpu.memory_space<hbm>>) target_semaphore(%arg20 : memref<!tpu.dma_semaphore, #tpu.memory_space<semaphore_mem>>)
    %dma_wait3A_82 = arith.constant 384 : i32
    %dma_wait3A_83 = tpu.memref_slice %arg5[%dma_wait3A_82] : memref<1024xi32, #tpu.memory_space<vmem>> -> memref<128xi32, #tpu.memory_space<vmem>>
    %dma_wait3A_84 = arith.constant 0 : i32
    %dma_wait3A_85 = arith.constant 0 : i32
    %dma_wait3A_86 = tpu.memref_slice %arg2[%dma_wait3A_84, %dma_wait3A_85] : memref<1024x128xf32, #tpu.memory_space<hbm>> -> memref<1024x128xf32, #tpu.memory_space<hbm>>
    tpu.wait_indirect_dma semaphore(%arg15 : memref<!tpu.dma_semaphore, #tpu.memory_space<semaphore_mem>>) src(%dma_wait3A_86 : memref<1024x128xf32, #tpu.memory_space<hbm>>) dst(%arg9 : memref<128x128xf32, #tpu.memory_space<vmem>>)
    %add3A_87 = arith.constant 384 : i32
    %add3A_88 = arith.addi %mul3A_2, %add3A_87 : i32
    %dma_start3A_89 = arith.constant 0 : i32
    %dma_start3A_90 = tpu.memref_slice %arg4[%add3A_88, %dma_start3A_89] : memref<32768x128xf32, #tpu.memory_space<hbm>> -> memref<128x128xf32, #tpu.memory_space<hbm>>
    %dma_start3A_91 = arith.constant 0 : i32
    %dma_start3A_92 = tpu.memref_slice %arg4[%add3A_88, %dma_start3A_91] : memref<32768x128xf32, #tpu.memory_space<hbm>> -> memref<128x128xf32, #tpu.memory_space<hbm>>
    tpu.enqueue_dma source(%arg9 : memref<128x128xf32, #tpu.memory_space<vmem>>) target(%dma_start3A_92 : memref<128x128xf32, #tpu.memory_space<hbm>>) target_semaphore(%arg21 : memref<!tpu.dma_semaphore, #tpu.memory_space<semaphore_mem>>)
    %dma_wait3A_93 = arith.constant 512 : i32
    %dma_wait3A_94 = tpu.memref_slice %arg5[%dma_wait3A_93] : memref<1024xi32, #tpu.memory_space<vmem>> -> memref<128xi32, #tpu.memory_space<vmem>>
    %dma_wait3A_95 = arith.constant 0 : i32
    %dma_wait3A_96 = arith.constant 0 : i32
    %dma_wait3A_97 = tpu.memref_slice %arg2[%dma_wait3A_95, %dma_wait3A_96] : memref<1024x128xf32, #tpu.memory_space<hbm>> -> memref<1024x128xf32, #tpu.memory_space<hbm>>
    tpu.wait_indirect_dma semaphore(%arg16 : memref<!tpu.dma_semaphore, #tpu.memory_space<semaphore_mem>>) src(%dma_wait3A_97 : memref<1024x128xf32, #tpu.memory_space<hbm>>) dst(%arg10 : memref<128x128xf32, #tpu.memory_space<vmem>>)
    %add3A_98 = arith.constant 512 : i32
    %add3A_99 = arith.addi %mul3A_2, %add3A_98 : i32
    %dma_start3A_100 = arith.constant 0 : i32
    %dma_start3A_101 = tpu.memref_slice %arg4[%add3A_99, %dma_start3A_100] : memref<32768x128xf32, #tpu.memory_space<hbm>> -> memref<128x128xf32, #tpu.memory_space<hbm>>
    %dma_start3A_102 = arith.constant 0 : i32
    %dma_start3A_103 = tpu.memref_slice %arg4[%add3A_99, %dma_start3A_102] : memref<32768x128xf32, #tpu.memory_space<hbm>> -> memref<128x128xf32, #tpu.memory_space<hbm>>
    tpu.enqueue_dma source(%arg10 : memref<128x128xf32, #tpu.memory_space<vmem>>) target(%dma_start3A_103 : memref<128x128xf32, #tpu.memory_space<hbm>>) target_semaphore(%arg22 : memref<!tpu.dma_semaphore, #tpu.memory_space<semaphore_mem>>)
    %dma_wait3A_104 = arith.constant 640 : i32
    %dma_wait3A_105 = tpu.memref_slice %arg5[%dma_wait3A_104] : memref<1024xi32, #tpu.memory_space<vmem>> -> memref<128xi32, #tpu.memory_space<vmem>>
    %dma_wait3A_106 = arith.constant 0 : i32
    %dma_wait3A_107 = arith.constant 0 : i32
    %dma_wait3A_108 = tpu.memref_slice %arg2[%dma_wait3A_106, %dma_wait3A_107] : memref<1024x128xf32, #tpu.memory_space<hbm>> -> memref<1024x128xf32, #tpu.memory_space<hbm>>
    tpu.wait_indirect_dma semaphore(%arg17 : memref<!tpu.dma_semaphore, #tpu.memory_space<semaphore_mem>>) src(%dma_wait3A_108 : memref<1024x128xf32, #tpu.memory_space<hbm>>) dst(%arg11 : memref<128x128xf32, #tpu.memory_space<vmem>>)
    %add3A_109 = arith.constant 640 : i32
    %add3A_110 = arith.addi %mul3A_2, %add3A_109 : i32
    %dma_start3A_111 = arith.constant 0 : i32
    %dma_start3A_112 = tpu.memref_slice %arg4[%add3A_110, %dma_start3A_111] : memref<32768x128xf32, #tpu.memory_space<hbm>> -> memref<128x128xf32, #tpu.memory_space<hbm>>
    %dma_start3A_113 = arith.constant 0 : i32
    %dma_start3A_114 = tpu.memref_slice %arg4[%add3A_110, %dma_start3A_113] : memref<32768x128xf32, #tpu.memory_space<hbm>> -> memref<128x128xf32, #tpu.memory_space<hbm>>
    tpu.enqueue_dma source(%arg11 : memref<128x128xf32, #tpu.memory_space<vmem>>) target(%dma_start3A_114 : memref<128x128xf32, #tpu.memory_space<hbm>>) target_semaphore(%arg23 : memref<!tpu.dma_semaphore, #tpu.memory_space<semaphore_mem>>)
    %dma_wait3A_115 = arith.constant 768 : i32
    %dma_wait3A_116 = tpu.memref_slice %arg5[%dma_wait3A_115] : memref<1024xi32, #tpu.memory_space<vmem>> -> memref<128xi32, #tpu.memory_space<vmem>>
    %dma_wait3A_117 = arith.constant 0 : i32
    %dma_wait3A_118 = arith.constant 0 : i32
    %dma_wait3A_119 = tpu.memref_slice %arg2[%dma_wait3A_117, %dma_wait3A_118] : memref<1024x128xf32, #tpu.memory_space<hbm>> -> memref<1024x128xf32, #tpu.memory_space<hbm>>
    tpu.wait_indirect_dma semaphore(%arg12 : memref<!tpu.dma_semaphore, #tpu.memory_space<semaphore_mem>>) src(%dma_wait3A_119 : memref<1024x128xf32, #tpu.memory_space<hbm>>) dst(%arg6 : memref<128x128xf32, #tpu.memory_space<vmem>>)
    %add3A_120 = arith.constant 768 : i32
    %add3A_121 = arith.addi %mul3A_2, %add3A_120 : i32
    %dma_start3A_122 = arith.constant 0 : i32
    %dma_start3A_123 = tpu.memref_slice %arg4[%add3A_121, %dma_start3A_122] : memref<32768x128xf32, #tpu.memory_space<hbm>> -> memref<128x128xf32, #tpu.memory_space<hbm>>
    %dma_start3A_124 = arith.constant 0 : i32
    %dma_start3A_125 = tpu.memref_slice %arg4[%add3A_121, %dma_start3A_124] : memref<32768x128xf32, #tpu.memory_space<hbm>> -> memref<128x128xf32, #tpu.memory_space<hbm>>
    tpu.enqueue_dma source(%arg6 : memref<128x128xf32, #tpu.memory_space<vmem>>) target(%dma_start3A_125 : memref<128x128xf32, #tpu.memory_space<hbm>>) target_semaphore(%arg18 : memref<!tpu.dma_semaphore, #tpu.memory_space<semaphore_mem>>)
    %dma_wait3A_126 = arith.constant 896 : i32
    %dma_wait3A_127 = tpu.memref_slice %arg5[%dma_wait3A_126] : memref<1024xi32, #tpu.memory_space<vmem>> -> memref<128xi32, #tpu.memory_space<vmem>>
    %dma_wait3A_128 = arith.constant 0 : i32
    %dma_wait3A_129 = arith.constant 0 : i32
    %dma_wait3A_130 = tpu.memref_slice %arg2[%dma_wait3A_128, %dma_wait3A_129] : memref<1024x128xf32, #tpu.memory_space<hbm>> -> memref<1024x128xf32, #tpu.memory_space<hbm>>
    tpu.wait_indirect_dma semaphore(%arg13 : memref<!tpu.dma_semaphore, #tpu.memory_space<semaphore_mem>>) src(%dma_wait3A_130 : memref<1024x128xf32, #tpu.memory_space<hbm>>) dst(%arg7 : memref<128x128xf32, #tpu.memory_space<vmem>>)
    %add3A_131 = arith.constant 896 : i32
    %add3A_132 = arith.addi %mul3A_2, %add3A_131 : i32
    %dma_start3A_133 = arith.constant 0 : i32
    %dma_start3A_134 = tpu.memref_slice %arg4[%add3A_132, %dma_start3A_133] : memref<32768x128xf32, #tpu.memory_space<hbm>> -> memref<128x128xf32, #tpu.memory_space<hbm>>
    %dma_start3A_135 = arith.constant 0 : i32
    %dma_start3A_136 = tpu.memref_slice %arg4[%add3A_132, %dma_start3A_135] : memref<32768x128xf32, #tpu.memory_space<hbm>> -> memref<128x128xf32, #tpu.memory_space<hbm>>
    tpu.enqueue_dma source(%arg7 : memref<128x128xf32, #tpu.memory_space<vmem>>) target(%dma_start3A_136 : memref<128x128xf32, #tpu.memory_space<hbm>>) target_semaphore(%arg19 : memref<!tpu.dma_semaphore, #tpu.memory_space<semaphore_mem>>)
    %dma_wait3A_137 = arith.constant 0 : i32
    %dma_wait3A_138 = tpu.memref_slice %arg4[%add3A_77, %dma_wait3A_137] : memref<32768x128xf32, #tpu.memory_space<hbm>> -> memref<128x128xf32, #tpu.memory_space<hbm>>
    %dma_wait3A_139 = arith.constant 0 : i32
    %dma_wait3A_140 = tpu.memref_slice %arg4[%add3A_77, %dma_wait3A_139] : memref<32768x128xf32, #tpu.memory_space<hbm>> -> memref<128x128xf32, #tpu.memory_space<hbm>>
    tpu.wait_dma2 semaphore(%arg20 : memref<!tpu.dma_semaphore, #tpu.memory_space<semaphore_mem>>) src(%arg8 : memref<128x128xf32, #tpu.memory_space<vmem>>) dst(%dma_wait3A_140 : memref<128x128xf32, #tpu.memory_space<hbm>>)
    %dma_wait3A_141 = arith.constant 0 : i32
    %dma_wait3A_142 = tpu.memref_slice %arg4[%add3A_88, %dma_wait3A_141] : memref<32768x128xf32, #tpu.memory_space<hbm>> -> memref<128x128xf32, #tpu.memory_space<hbm>>
    %dma_wait3A_143 = arith.constant 0 : i32
    %dma_wait3A_144 = tpu.memref_slice %arg4[%add3A_88, %dma_wait3A_143] : memref<32768x128xf32, #tpu.memory_space<hbm>> -> memref<128x128xf32, #tpu.memory_space<hbm>>
    tpu.wait_dma2 semaphore(%arg21 : memref<!tpu.dma_semaphore, #tpu.memory_space<semaphore_mem>>) src(%arg9 : memref<128x128xf32, #tpu.memory_space<vmem>>) dst(%dma_wait3A_144 : memref<128x128xf32, #tpu.memory_space<hbm>>)
    %dma_wait3A_145 = arith.constant 0 : i32
    %dma_wait3A_146 = tpu.memref_slice %arg4[%add3A_99, %dma_wait3A_145] : memref<32768x128xf32, #tpu.memory_space<hbm>> -> memref<128x128xf32, #tpu.memory_space<hbm>>
    %dma_wait3A_147 = arith.constant 0 : i32
    %dma_wait3A_148 = tpu.memref_slice %arg4[%add3A_99, %dma_wait3A_147] : memref<32768x128xf32, #tpu.memory_space<hbm>> -> memref<128x128xf32, #tpu.memory_space<hbm>>
    tpu.wait_dma2 semaphore(%arg22 : memref<!tpu.dma_semaphore, #tpu.memory_space<semaphore_mem>>) src(%arg10 : memref<128x128xf32, #tpu.memory_space<vmem>>) dst(%dma_wait3A_148 : memref<128x128xf32, #tpu.memory_space<hbm>>)
    %dma_wait3A_149 = arith.constant 0 : i32
    %dma_wait3A_150 = tpu.memref_slice %arg4[%add3A_110, %dma_wait3A_149] : memref<32768x128xf32, #tpu.memory_space<hbm>> -> memref<128x128xf32, #tpu.memory_space<hbm>>
    %dma_wait3A_151 = arith.constant 0 : i32
    %dma_wait3A_152 = tpu.memref_slice %arg4[%add3A_110, %dma_wait3A_151] : memref<32768x128xf32, #tpu.memory_space<hbm>> -> memref<128x128xf32, #tpu.memory_space<hbm>>
    tpu.wait_dma2 semaphore(%arg23 : memref<!tpu.dma_semaphore, #tpu.memory_space<semaphore_mem>>) src(%arg11 : memref<128x128xf32, #tpu.memory_space<vmem>>) dst(%dma_wait3A_152 : memref<128x128xf32, #tpu.memory_space<hbm>>)
    %dma_wait3A_153 = arith.constant 0 : i32
    %dma_wait3A_154 = tpu.memref_slice %arg4[%add3A_121, %dma_wait3A_153] : memref<32768x128xf32, #tpu.memory_space<hbm>> -> memref<128x128xf32, #tpu.memory_space<hbm>>
    %dma_wait3A_155 = arith.constant 0 : i32
    %dma_wait3A_156 = tpu.memref_slice %arg4[%add3A_121, %dma_wait3A_155] : memref<32768x128xf32, #tpu.memory_space<hbm>> -> memref<128x128xf32, #tpu.memory_space<hbm>>
    tpu.wait_dma2 semaphore(%arg18 : memref<!tpu.dma_semaphore, #tpu.memory_space<semaphore_mem>>) src(%arg6 : memref<128x128xf32, #tpu.memory_space<vmem>>) dst(%dma_wait3A_156 : memref<128x128xf32, #tpu.memory_space<hbm>>)
    %dma_wait3A_157 = arith.constant 0 : i32
    %dma_wait3A_158 = tpu.memref_slice %arg4[%add3A_132, %dma_wait3A_157] : memref<32768x128xf32, #tpu.memory_space<hbm>> -> memref<128x128xf32, #tpu.memory_space<hbm>>
    %dma_wait3A_159 = arith.constant 0 : i32
    %dma_wait3A_160 = tpu.memref_slice %arg4[%add3A_132, %dma_wait3A_159] : memref<32768x128xf32, #tpu.memory_space<hbm>> -> memref<128x128xf32, #tpu.memory_space<hbm>>
    tpu.wait_dma2 semaphore(%arg19 : memref<!tpu.dma_semaphore, #tpu.memory_space<semaphore_mem>>) src(%arg7 : memref<128x128xf32, #tpu.memory_space<vmem>>) dst(%dma_wait3A_160 : memref<128x128xf32, #tpu.memory_space<hbm>>)
    return
  }
}

#map = affine_map<(d0, d1) -> (0, 0)>
#map1 = affine_map<(d0, d1) -> (0)>
module attributes {stable_mosaic.version = 14 : i64} {
  func.func @gather(%arg0: i32, %arg1: i32, %arg2: memref<1024x128xf32, #tpu.memory_space<hbm>>, %arg3: memref<32768xi32, #tpu.memory_space<hbm>>, %arg4: memref<32768x128xf32, #tpu.memory_space<hbm>>, %arg5: memref<1024xi32, #tpu.memory_space<vmem>>, %arg6: memref<128x128xf32, #tpu.memory_space<vmem>>, %arg7: memref<128x128xf32, #tpu.memory_space<vmem>>, %arg8: memref<128x128xf32, #tpu.memory_space<vmem>>, %arg9: memref<128x128xf32, #tpu.memory_space<vmem>>, %arg10: memref<128x128xf32, #tpu.memory_space<vmem>>, %arg11: memref<128x128xf32, #tpu.memory_space<vmem>>, %arg12: memref<!tpu.dma_semaphore, #tpu.memory_space<semaphore_mem>>, %arg13: memref<!tpu.dma_semaphore, #tpu.memory_space<semaphore_mem>>, %arg14: memref<!tpu.dma_semaphore, #tpu.memory_space<semaphore_mem>>, %arg15: memref<!tpu.dma_semaphore, #tpu.memory_space<semaphore_mem>>, %arg16: memref<!tpu.dma_semaphore, #tpu.memory_space<semaphore_mem>>, %arg17: memref<!tpu.dma_semaphore, #tpu.memory_space<semaphore_mem>>, %arg18: memref<!tpu.dma_semaphore, #tpu.memory_space<semaphore_mem>>, %arg19: memref<!tpu.dma_semaphore, #tpu.memory_space<semaphore_mem>>, %arg20: memref<!tpu.dma_semaphore, #tpu.memory_space<semaphore_mem>>, %arg21: memref<!tpu.dma_semaphore, #tpu.memory_space<semaphore_mem>>, %arg22: memref<!tpu.dma_semaphore, #tpu.memory_space<semaphore_mem>>, %arg23: memref<!tpu.dma_semaphore, #tpu.memory_space<semaphore_mem>>) attributes {dimension_semantics = [#tpu.dimension_semantics<core_parallel>, #tpu.dimension_semantics<subcore_parallel>], iteration_bounds = array<i64: 2, 16>, scalar_prefetch = 0 : i64, scratch_operands = 19 : i64, tpu.core_type = #tpu.core_type<sc_vector_subcore>, window_params = [{transform_indices = #map}, {transform_indices = #map1}, {transform_indices = #map}]} {
    %mul3A = arith.constant 2 : i32
    %mul3A_0 = arith.muli %arg1, %mul3A : i32
    %add3A = arith.addi %mul3A_0, %arg0 : i32
    %mul3A_1 = arith.constant 1024 : i32
    %mul3A_2 = arith.muli %add3A, %mul3A_1 : i32
    "tpu.region"() ({
      %run_scoped3A = tpu.sem_alloc : memref<!tpu.dma_semaphore, #tpu.memory_space<semaphore_mem>>
      %dma_start3A_161 = tpu.memref_slice %arg3[%mul3A_2] : memref<32768xi32, #tpu.memory_space<hbm>> -> memref<1024xi32, #tpu.memory_space<hbm>>
      %dma_start3A_162 = tpu.memref_slice %arg3[%mul3A_2] : memref<32768xi32, #tpu.memory_space<hbm>> -> memref<1024xi32, #tpu.memory_space<hbm>>
      tpu.enqueue_dma source(%dma_start3A_162 : memref<1024xi32, #tpu.memory_space<hbm>>) target(%arg5 : memref<1024xi32, #tpu.memory_space<vmem>>) target_semaphore(%run_scoped3A : memref<!tpu.dma_semaphore, #tpu.memory_space<semaphore_mem>>)
      %dma_wait3A_163 = tpu.memref_slice %arg3[%mul3A_2] : memref<32768xi32, #tpu.memory_space<hbm>> -> memref<1024xi32, #tpu.memory_space<hbm>>
      %dma_wait3A_164 = tpu.memref_slice %arg3[%mul3A_2] : memref<32768xi32, #tpu.memory_space<hbm>> -> memref<1024xi32, #tpu.memory_space<hbm>>
      tpu.wait_dma2 semaphore(%run_scoped3A : memref<!tpu.dma_semaphore, #tpu.memory_space<semaphore_mem>>) src(%dma_wait3A_164 : memref<1024xi32, #tpu.memory_space<hbm>>) dst(%arg5 : memref<1024xi32, #tpu.memory_space<vmem>>)
      tpu.yield
    }) : () -> ()
    %dma_start3A = arith.constant 0 : i32
    %dma_start3A_3 = tpu.memref_slice %arg5[%dma_start3A] : memref<1024xi32, #tpu.memory_space<vmem>> -> memref<128xi32, #tpu.memory_space<vmem>>
    %dma_start3A_4 = arith.constant 0 : i32
    %dma_start3A_5 = arith.constant 0 : i32
    %dma_start3A_6 = tpu.memref_slice %arg2[%dma_start3A_4, %dma_start3A_5] : memref<1024x128xf32, #tpu.memory_space<hbm>> -> memref<1024x128xf32, #tpu.memory_space<hbm>>
    tpu.enqueue_indirect_dma source(%dma_start3A_6 : memref<1024x128xf32, #tpu.memory_space<hbm>>) target(%arg6 : memref<128x128xf32, #tpu.memory_space<vmem>>) offsets(%dma_start3A_3 : memref<128xi32, #tpu.memory_space<vmem>>) semaphore(%arg12 : memref<!tpu.dma_semaphore, #tpu.memory_space<semaphore_mem>>)
    %dma_start3A_7 = arith.constant 128 : i32
    %dma_start3A_8 = tpu.memref_slice %arg5[%dma_start3A_7] : memref<1024xi32, #tpu.memory_space<vmem>> -> memref<128xi32, #tpu.memory_space<vmem>>
    %dma_start3A_9 = arith.constant 0 : i32
    %dma_start3A_10 = arith.constant 0 : i32
    %dma_start3A_11 = tpu.memref_slice %arg2[%dma_start3A_9, %dma_start3A_10] : memref<1024x128xf32, #tpu.memory_space<hbm>> -> memref<1024x128xf32, #tpu.memory_space<hbm>>
    tpu.enqueue_indirect_dma source(%dma_start3A_11 : memref<1024x128xf32, #tpu.memory_space<hbm>>) target(%arg7 : memref<128x128xf32, #tpu.memory_space<vmem>>) offsets(%dma_start3A_8 : memref<128xi32, #tpu.memory_space<vmem>>) semaphore(%arg13 : memref<!tpu.dma_semaphore, #tpu.memory_space<semaphore_mem>>)
    %dma_start3A_12 = arith.constant 256 : i32
    %dma_start3A_13 = tpu.memref_slice %arg5[%dma_start3A_12] : memref<1024xi32, #tpu.memory_space<vmem>> -> memref<128xi32, #tpu.memory_space<vmem>>
    %dma_start3A_14 = arith.constant 0 : i32
    %dma_start3A_15 = arith.constant 0 : i32
    %dma_start3A_16 = tpu.memref_slice %arg2[%dma_start3A_14, %dma_start3A_15] : memref<1024x128xf32, #tpu.memory_space<hbm>> -> memref<1024x128xf32, #tpu.memory_space<hbm>>
    tpu.enqueue_indirect_dma source(%dma_start3A_16 : memref<1024x128xf32, #tpu.memory_space<hbm>>) target(%arg8 : memref<128x128xf32, #tpu.memory_space<vmem>>) offsets(%dma_start3A_13 : memref<128xi32, #tpu.memory_space<vmem>>) semaphore(%arg14 : memref<!tpu.dma_semaphore, #tpu.memory_space<semaphore_mem>>)
    %dma_start3A_17 = arith.constant 384 : i32
    %dma_start3A_18 = tpu.memref_slice %arg5[%dma_start3A_17] : memref<1024xi32, #tpu.memory_space<vmem>> -> memref<128xi32, #tpu.memory_space<vmem>>
    %dma_start3A_19 = arith.constant 0 : i32
    %dma_start3A_20 = arith.constant 0 : i32
    %dma_start3A_21 = tpu.memref_slice %arg2[%dma_start3A_19, %dma_start3A_20] : memref<1024x128xf32, #tpu.memory_space<hbm>> -> memref<1024x128xf32, #tpu.memory_space<hbm>>
    tpu.enqueue_indirect_dma source(%dma_start3A_21 : memref<1024x128xf32, #tpu.memory_space<hbm>>) target(%arg9 : memref<128x128xf32, #tpu.memory_space<vmem>>) offsets(%dma_start3A_18 : memref<128xi32, #tpu.memory_space<vmem>>) semaphore(%arg15 : memref<!tpu.dma_semaphore, #tpu.memory_space<semaphore_mem>>)
    %dma_start3A_22 = arith.constant 512 : i32
    %dma_start3A_23 = tpu.memref_slice %arg5[%dma_start3A_22] : memref<1024xi32, #tpu.memory_space<vmem>> -> memref<128xi32, #tpu.memory_space<vmem>>
    %dma_start3A_24 = arith.constant 0 : i32
    %dma_start3A_25 = arith.constant 0 : i32
    %dma_start3A_26 = tpu.memref_slice %arg2[%dma_start3A_24, %dma_start3A_25] : memref<1024x128xf32, #tpu.memory_space<hbm>> -> memref<1024x128xf32, #tpu.memory_space<hbm>>
    tpu.enqueue_indirect_dma source(%dma_start3A_26 : memref<1024x128xf32, #tpu.memory_space<hbm>>) target(%arg10 : memref<128x128xf32, #tpu.memory_space<vmem>>) offsets(%dma_start3A_23 : memref<128xi32, #tpu.memory_space<vmem>>) semaphore(%arg16 : memref<!tpu.dma_semaphore, #tpu.memory_space<semaphore_mem>>)
    %dma_start3A_27 = arith.constant 640 : i32
    %dma_start3A_28 = tpu.memref_slice %arg5[%dma_start3A_27] : memref<1024xi32, #tpu.memory_space<vmem>> -> memref<128xi32, #tpu.memory_space<vmem>>
    %dma_start3A_29 = arith.constant 0 : i32
    %dma_start3A_30 = arith.constant 0 : i32
    %dma_start3A_31 = tpu.memref_slice %arg2[%dma_start3A_29, %dma_start3A_30] : memref<1024x128xf32, #tpu.memory_space<hbm>> -> memref<1024x128xf32, #tpu.memory_space<hbm>>
    tpu.enqueue_indirect_dma source(%dma_start3A_31 : memref<1024x128xf32, #tpu.memory_space<hbm>>) target(%arg11 : memref<128x128xf32, #tpu.memory_space<vmem>>) offsets(%dma_start3A_28 : memref<128xi32, #tpu.memory_space<vmem>>) semaphore(%arg17 : memref<!tpu.dma_semaphore, #tpu.memory_space<semaphore_mem>>)
    %dma_wait3A = arith.constant 0 : i32
    %dma_wait3A_32 = tpu.memref_slice %arg5[%dma_wait3A] : memref<1024xi32, #tpu.memory_space<vmem>> -> memref<128xi32, #tpu.memory_space<vmem>>
    %dma_wait3A_33 = arith.constant 0 : i32
    %dma_wait3A_34 = arith.constant 0 : i32
    %dma_wait3A_35 = tpu.memref_slice %arg2[%dma_wait3A_33, %dma_wait3A_34] : memref<1024x128xf32, #tpu.memory_space<hbm>> -> memref<1024x128xf32, #tpu.memory_space<hbm>>
    tpu.wait_indirect_dma semaphore(%arg12 : memref<!tpu.dma_semaphore, #tpu.memory_space<semaphore_mem>>) src(%dma_wait3A_35 : memref<1024x128xf32, #tpu.memory_space<hbm>>) dst(%arg6 : memref<128x128xf32, #tpu.memory_space<vmem>>)
    %add3A_36 = arith.constant 0 : i32
    %add3A_37 = arith.addi %mul3A_2, %add3A_36 : i32
    %dma_start3A_38 = arith.constant 0 : i32
    %dma_start3A_39 = tpu.memref_slice %arg4[%add3A_37, %dma_start3A_38] : memref<32768x128xf32, #tpu.memory_space<hbm>> -> memref<128x128xf32, #tpu.memory_space<hbm>>
    %dma_start3A_40 = arith.constant 0 : i32
    %dma_start3A_41 = tpu.memref_slice %arg4[%add3A_37, %dma_start3A_40] : memref<32768x128xf32, #tpu.memory_space<hbm>> -> memref<128x128xf32, #tpu.memory_space<hbm>>
    tpu.enqueue_dma source(%arg6 : memref<128x128xf32, #tpu.memory_space<vmem>>) target(%dma_start3A_41 : memref<128x128xf32, #tpu.memory_space<hbm>>) target_semaphore(%arg18 : memref<!tpu.dma_semaphore, #tpu.memory_space<semaphore_mem>>)
    %dma_wait3A_42 = arith.constant 0 : i32
    %dma_wait3A_43 = tpu.memref_slice %arg4[%add3A_37, %dma_wait3A_42] : memref<32768x128xf32, #tpu.memory_space<hbm>> -> memref<128x128xf32, #tpu.memory_space<hbm>>
    %dma_wait3A_44 = arith.constant 0 : i32
    %dma_wait3A_45 = tpu.memref_slice %arg4[%add3A_37, %dma_wait3A_44] : memref<32768x128xf32, #tpu.memory_space<hbm>> -> memref<128x128xf32, #tpu.memory_space<hbm>>
    tpu.wait_dma2 semaphore(%arg18 : memref<!tpu.dma_semaphore, #tpu.memory_space<semaphore_mem>>) src(%arg6 : memref<128x128xf32, #tpu.memory_space<vmem>>) dst(%dma_wait3A_45 : memref<128x128xf32, #tpu.memory_space<hbm>>)
    %dma_start3A_46 = arith.constant 768 : i32
    %dma_start3A_47 = tpu.memref_slice %arg5[%dma_start3A_46] : memref<1024xi32, #tpu.memory_space<vmem>> -> memref<128xi32, #tpu.memory_space<vmem>>
    %dma_start3A_48 = arith.constant 0 : i32
    %dma_start3A_49 = arith.constant 0 : i32
    %dma_start3A_50 = tpu.memref_slice %arg2[%dma_start3A_48, %dma_start3A_49] : memref<1024x128xf32, #tpu.memory_space<hbm>> -> memref<1024x128xf32, #tpu.memory_space<hbm>>
    tpu.enqueue_indirect_dma source(%dma_start3A_50 : memref<1024x128xf32, #tpu.memory_space<hbm>>) target(%arg6 : memref<128x128xf32, #tpu.memory_space<vmem>>) offsets(%dma_start3A_47 : memref<128xi32, #tpu.memory_space<vmem>>) semaphore(%arg12 : memref<!tpu.dma_semaphore, #tpu.memory_space<semaphore_mem>>)
    %dma_wait3A_51 = arith.constant 128 : i32
    %dma_wait3A_52 = tpu.memref_slice %arg5[%dma_wait3A_51] : memref<1024xi32, #tpu.memory_space<vmem>> -> memref<128xi32, #tpu.memory_space<vmem>>
    %dma_wait3A_53 = arith.constant 0 : i32
    %dma_wait3A_54 = arith.constant 0 : i32
    %dma_wait3A_55 = tpu.memref_slice %arg2[%dma_wait3A_53, %dma_wait3A_54] : memref<1024x128xf32, #tpu.memory_space<hbm>> -> memref<1024x128xf32, #tpu.memory_space<hbm>>
    tpu.wait_indirect_dma semaphore(%arg13 : memref<!tpu.dma_semaphore, #tpu.memory_space<semaphore_mem>>) src(%dma_wait3A_55 : memref<1024x128xf32, #tpu.memory_space<hbm>>) dst(%arg7 : memref<128x128xf32, #tpu.memory_space<vmem>>)
    %add3A_56 = arith.constant 128 : i32
    %add3A_57 = arith.addi %mul3A_2, %add3A_56 : i32
    %dma_start3A_58 = arith.constant 0 : i32
    %dma_start3A_59 = tpu.memref_slice %arg4[%add3A_57, %dma_start3A_58] : memref<32768x128xf32, #tpu.memory_space<hbm>> -> memref<128x128xf32, #tpu.memory_space<hbm>>
    %dma_start3A_60 = arith.constant 0 : i32
    %dma_start3A_61 = tpu.memref_slice %arg4[%add3A_57, %dma_start3A_60] : memref<32768x128xf32, #tpu.memory_space<hbm>> -> memref<128x128xf32, #tpu.memory_space<hbm>>
    tpu.enqueue_dma source(%arg7 : memref<128x128xf32, #tpu.memory_space<vmem>>) target(%dma_start3A_61 : memref<128x128xf32, #tpu.memory_space<hbm>>) target_semaphore(%arg19 : memref<!tpu.dma_semaphore, #tpu.memory_space<semaphore_mem>>)
    %dma_wait3A_62 = arith.constant 0 : i32
    %dma_wait3A_63 = tpu.memref_slice %arg4[%add3A_57, %dma_wait3A_62] : memref<32768x128xf32, #tpu.memory_space<hbm>> -> memref<128x128xf32, #tpu.memory_space<hbm>>
    %dma_wait3A_64 = arith.constant 0 : i32
    %dma_wait3A_65 = tpu.memref_slice %arg4[%add3A_57, %dma_wait3A_64] : memref<32768x128xf32, #tpu.memory_space<hbm>> -> memref<128x128xf32, #tpu.memory_space<hbm>>
    tpu.wait_dma2 semaphore(%arg19 : memref<!tpu.dma_semaphore, #tpu.memory_space<semaphore_mem>>) src(%arg7 : memref<128x128xf32, #tpu.memory_space<vmem>>) dst(%dma_wait3A_65 : memref<128x128xf32, #tpu.memory_space<hbm>>)
    %dma_start3A_66 = arith.constant 896 : i32
    %dma_start3A_67 = tpu.memref_slice %arg5[%dma_start3A_66] : memref<1024xi32, #tpu.memory_space<vmem>> -> memref<128xi32, #tpu.memory_space<vmem>>
    %dma_start3A_68 = arith.constant 0 : i32
    %dma_start3A_69 = arith.constant 0 : i32
    %dma_start3A_70 = tpu.memref_slice %arg2[%dma_start3A_68, %dma_start3A_69] : memref<1024x128xf32, #tpu.memory_space<hbm>> -> memref<1024x128xf32, #tpu.memory_space<hbm>>
    tpu.enqueue_indirect_dma source(%dma_start3A_70 : memref<1024x128xf32, #tpu.memory_space<hbm>>) target(%arg7 : memref<128x128xf32, #tpu.memory_space<vmem>>) offsets(%dma_start3A_67 : memref<128xi32, #tpu.memory_space<vmem>>) semaphore(%arg13 : memref<!tpu.dma_semaphore, #tpu.memory_space<semaphore_mem>>)
    %dma_wait3A_71 = arith.constant 256 : i32
    %dma_wait3A_72 = tpu.memref_slice %arg5[%dma_wait3A_71] : memref<1024xi32, #tpu.memory_space<vmem>> -> memref<128xi32, #tpu.memory_space<vmem>>
    %dma_wait3A_73 = arith.constant 0 : i32
    %dma_wait3A_74 = arith.constant 0 : i32
    %dma_wait3A_75 = tpu.memref_slice %arg2[%dma_wait3A_73, %dma_wait3A_74] : memref<1024x128xf32, #tpu.memory_space<hbm>> -> memref<1024x128xf32, #tpu.memory_space<hbm>>
    tpu.wait_indirect_dma semaphore(%arg14 : memref<!tpu.dma_semaphore, #tpu.memory_space<semaphore_mem>>) src(%dma_wait3A_75 : memref<1024x128xf32, #tpu.memory_space<hbm>>) dst(%arg8 : memref<128x128xf32, #tpu.memory_space<vmem>>)
    %add3A_76 = arith.constant 256 : i32
    %add3A_77 = arith.addi %mul3A_2, %add3A_76 : i32
    %dma_start3A_78 = arith.constant 0 : i32
    %dma_start3A_79 = tpu.memref_slice %arg4[%add3A_77, %dma_start3A_78] : memref<32768x128xf32, #tpu.memory_space<hbm>> -> memref<128x128xf32, #tpu.memory_space<hbm>>
    %dma_start3A_80 = arith.constant 0 : i32
    %dma_start3A_81 = tpu.memref_slice %arg4[%add3A_77, %dma_start3A_80] : memref<32768x128xf32, #tpu.memory_space<hbm>> -> memref<128x128xf32, #tpu.memory_space<hbm>>
    tpu.enqueue_dma source(%arg8 : memref<128x128xf32, #tpu.memory_space<vmem>>) target(%dma_start3A_81 : memref<128x128xf32, #tpu.memory_space<hbm>>) target_semaphore(%arg20 : memref<!tpu.dma_semaphore, #tpu.memory_space<semaphore_mem>>)
    %dma_wait3A_82 = arith.constant 384 : i32
    %dma_wait3A_83 = tpu.memref_slice %arg5[%dma_wait3A_82] : memref<1024xi32, #tpu.memory_space<vmem>> -> memref<128xi32, #tpu.memory_space<vmem>>
    %dma_wait3A_84 = arith.constant 0 : i32
    %dma_wait3A_85 = arith.constant 0 : i32
    %dma_wait3A_86 = tpu.memref_slice %arg2[%dma_wait3A_84, %dma_wait3A_85] : memref<1024x128xf32, #tpu.memory_space<hbm>> -> memref<1024x128xf32, #tpu.memory_space<hbm>>
    tpu.wait_indirect_dma semaphore(%arg15 : memref<!tpu.dma_semaphore, #tpu.memory_space<semaphore_mem>>) src(%dma_wait3A_86 : memref<1024x128xf32, #tpu.memory_space<hbm>>) dst(%arg9 : memref<128x128xf32, #tpu.memory_space<vmem>>)
    %add3A_87 = arith.constant 384 : i32
    %add3A_88 = arith.addi %mul3A_2, %add3A_87 : i32
    %dma_start3A_89 = arith.constant 0 : i32
    %dma_start3A_90 = tpu.memref_slice %arg4[%add3A_88, %dma_start3A_89] : memref<32768x128xf32, #tpu.memory_space<hbm>> -> memref<128x128xf32, #tpu.memory_space<hbm>>
    %dma_start3A_91 = arith.constant 0 : i32
    %dma_start3A_92 = tpu.memref_slice %arg4[%add3A_88, %dma_start3A_91] : memref<32768x128xf32, #tpu.memory_space<hbm>> -> memref<128x128xf32, #tpu.memory_space<hbm>>
    tpu.enqueue_dma source(%arg9 : memref<128x128xf32, #tpu.memory_space<vmem>>) target(%dma_start3A_92 : memref<128x128xf32, #tpu.memory_space<hbm>>) target_semaphore(%arg21 : memref<!tpu.dma_semaphore, #tpu.memory_space<semaphore_mem>>)
    %dma_wait3A_93 = arith.constant 512 : i32
    %dma_wait3A_94 = tpu.memref_slice %arg5[%dma_wait3A_93] : memref<1024xi32, #tpu.memory_space<vmem>> -> memref<128xi32, #tpu.memory_space<vmem>>
    %dma_wait3A_95 = arith.constant 0 : i32
    %dma_wait3A_96 = arith.constant 0 : i32
    %dma_wait3A_97 = tpu.memref_slice %arg2[%dma_wait3A_95, %dma_wait3A_96] : memref<1024x128xf32, #tpu.memory_space<hbm>> -> memref<1024x128xf32, #tpu.memory_space<hbm>>
    tpu.wait_indirect_dma semaphore(%arg16 : memref<!tpu.dma_semaphore, #tpu.memory_space<semaphore_mem>>) src(%dma_wait3A_97 : memref<1024x128xf32, #tpu.memory_space<hbm>>) dst(%arg10 : memref<128x128xf32, #tpu.memory_space<vmem>>)
    %add3A_98 = arith.constant 512 : i32
    %add3A_99 = arith.addi %mul3A_2, %add3A_98 : i32
    %dma_start3A_100 = arith.constant 0 : i32
    %dma_start3A_101 = tpu.memref_slice %arg4[%add3A_99, %dma_start3A_100] : memref<32768x128xf32, #tpu.memory_space<hbm>> -> memref<128x128xf32, #tpu.memory_space<hbm>>
    %dma_start3A_102 = arith.constant 0 : i32
    %dma_start3A_103 = tpu.memref_slice %arg4[%add3A_99, %dma_start3A_102] : memref<32768x128xf32, #tpu.memory_space<hbm>> -> memref<128x128xf32, #tpu.memory_space<hbm>>
    tpu.enqueue_dma source(%arg10 : memref<128x128xf32, #tpu.memory_space<vmem>>) target(%dma_start3A_103 : memref<128x128xf32, #tpu.memory_space<hbm>>) target_semaphore(%arg22 : memref<!tpu.dma_semaphore, #tpu.memory_space<semaphore_mem>>)
    %dma_wait3A_104 = arith.constant 640 : i32
    %dma_wait3A_105 = tpu.memref_slice %arg5[%dma_wait3A_104] : memref<1024xi32, #tpu.memory_space<vmem>> -> memref<128xi32, #tpu.memory_space<vmem>>
    %dma_wait3A_106 = arith.constant 0 : i32
    %dma_wait3A_107 = arith.constant 0 : i32
    %dma_wait3A_108 = tpu.memref_slice %arg2[%dma_wait3A_106, %dma_wait3A_107] : memref<1024x128xf32, #tpu.memory_space<hbm>> -> memref<1024x128xf32, #tpu.memory_space<hbm>>
    tpu.wait_indirect_dma semaphore(%arg17 : memref<!tpu.dma_semaphore, #tpu.memory_space<semaphore_mem>>) src(%dma_wait3A_108 : memref<1024x128xf32, #tpu.memory_space<hbm>>) dst(%arg11 : memref<128x128xf32, #tpu.memory_space<vmem>>)
    %add3A_109 = arith.constant 640 : i32
    %add3A_110 = arith.addi %mul3A_2, %add3A_109 : i32
    %dma_start3A_111 = arith.constant 0 : i32
    %dma_start3A_112 = tpu.memref_slice %arg4[%add3A_110, %dma_start3A_111] : memref<32768x128xf32, #tpu.memory_space<hbm>> -> memref<128x128xf32, #tpu.memory_space<hbm>>
    %dma_start3A_113 = arith.constant 0 : i32
    %dma_start3A_114 = tpu.memref_slice %arg4[%add3A_110, %dma_start3A_113] : memref<32768x128xf32, #tpu.memory_space<hbm>> -> memref<128x128xf32, #tpu.memory_space<hbm>>
    tpu.enqueue_dma source(%arg11 : memref<128x128xf32, #tpu.memory_space<vmem>>) target(%dma_start3A_114 : memref<128x128xf32, #tpu.memory_space<hbm>>) target_semaphore(%arg23 : memref<!tpu.dma_semaphore, #tpu.memory_space<semaphore_mem>>)
    %dma_wait3A_115 = arith.constant 768 : i32
    %dma_wait3A_116 = tpu.memref_slice %arg5[%dma_wait3A_115] : memref<1024xi32, #tpu.memory_space<vmem>> -> memref<128xi32, #tpu.memory_space<vmem>>
    %dma_wait3A_117 = arith.constant 0 : i32
    %dma_wait3A_118 = arith.constant 0 : i32
    %dma_wait3A_119 = tpu.memref_slice %arg2[%dma_wait3A_117, %dma_wait3A_118] : memref<1024x128xf32, #tpu.memory_space<hbm>> -> memref<1024x128xf32, #tpu.memory_space<hbm>>
    tpu.wait_indirect_dma semaphore(%arg12 : memref<!tpu.dma_semaphore, #tpu.memory_space<semaphore_mem>>) src(%dma_wait3A_119 : memref<1024x128xf32, #tpu.memory_space<hbm>>) dst(%arg6 : memref<128x128xf32, #tpu.memory_space<vmem>>)
    %add3A_120 = arith.constant 768 : i32
    %add3A_121 = arith.addi %mul3A_2, %add3A_120 : i32
    %dma_start3A_122 = arith.constant 0 : i32
    %dma_start3A_123 = tpu.memref_slice %arg4[%add3A_121, %dma_start3A_122] : memref<32768x128xf32, #tpu.memory_space<hbm>> -> memref<128x128xf32, #tpu.memory_space<hbm>>
    %dma_start3A_124 = arith.constant 0 : i32
    %dma_start3A_125 = tpu.memref_slice %arg4[%add3A_121, %dma_start3A_124] : memref<32768x128xf32, #tpu.memory_space<hbm>> -> memref<128x128xf32, #tpu.memory_space<hbm>>
    tpu.enqueue_dma source(%arg6 : memref<128x128xf32, #tpu.memory_space<vmem>>) target(%dma_start3A_125 : memref<128x128xf32, #tpu.memory_space<hbm>>) target_semaphore(%arg18 : memref<!tpu.dma_semaphore, #tpu.memory_space<semaphore_mem>>)
    %dma_wait3A_126 = arith.constant 896 : i32
    %dma_wait3A_127 = tpu.memref_slice %arg5[%dma_wait3A_126] : memref<1024xi32, #tpu.memory_space<vmem>> -> memref<128xi32, #tpu.memory_space<vmem>>
    %dma_wait3A_128 = arith.constant 0 : i32
    %dma_wait3A_129 = arith.constant 0 : i32
    %dma_wait3A_130 = tpu.memref_slice %arg2[%dma_wait3A_128, %dma_wait3A_129] : memref<1024x128xf32, #tpu.memory_space<hbm>> -> memref<1024x128xf32, #tpu.memory_space<hbm>>
    tpu.wait_indirect_dma semaphore(%arg13 : memref<!tpu.dma_semaphore, #tpu.memory_space<semaphore_mem>>) src(%dma_wait3A_130 : memref<1024x128xf32, #tpu.memory_space<hbm>>) dst(%arg7 : memref<128x128xf32, #tpu.memory_space<vmem>>)
    %add3A_131 = arith.constant 896 : i32
    %add3A_132 = arith.addi %mul3A_2, %add3A_131 : i32
    %dma_start3A_133 = arith.constant 0 : i32
    %dma_start3A_134 = tpu.memref_slice %arg4[%add3A_132, %dma_start3A_133] : memref<32768x128xf32, #tpu.memory_space<hbm>> -> memref<128x128xf32, #tpu.memory_space<hbm>>
    %dma_start3A_135 = arith.constant 0 : i32
    %dma_start3A_136 = tpu.memref_slice %arg4[%add3A_132, %dma_start3A_135] : memref<32768x128xf32, #tpu.memory_space<hbm>> -> memref<128x128xf32, #tpu.memory_space<hbm>>
    tpu.enqueue_dma source(%arg7 : memref<128x128xf32, #tpu.memory_space<vmem>>) target(%dma_start3A_136 : memref<128x128xf32, #tpu.memory_space<hbm>>) target_semaphore(%arg19 : memref<!tpu.dma_semaphore, #tpu.memory_space<semaphore_mem>>)
    %dma_wait3A_137 = arith.constant 0 : i32
    %dma_wait3A_138 = tpu.memref_slice %arg4[%add3A_77, %dma_wait3A_137] : memref<32768x128xf32, #tpu.memory_space<hbm>> -> memref<128x128xf32, #tpu.memory_space<hbm>>
    %dma_wait3A_139 = arith.constant 0 : i32
    %dma_wait3A_140 = tpu.memref_slice %arg4[%add3A_77, %dma_wait3A_139] : memref<32768x128xf32, #tpu.memory_space<hbm>> -> memref<128x128xf32, #tpu.memory_space<hbm>>
    tpu.wait_dma2 semaphore(%arg20 : memref<!tpu.dma_semaphore, #tpu.memory_space<semaphore_mem>>) src(%arg8 : memref<128x128xf32, #tpu.memory_space<vmem>>) dst(%dma_wait3A_140 : memref<128x128xf32, #tpu.memory_space<hbm>>)
    %dma_wait3A_141 = arith.constant 0 : i32
    %dma_wait3A_142 = tpu.memref_slice %arg4[%add3A_88, %dma_wait3A_141] : memref<32768x128xf32, #tpu.memory_space<hbm>> -> memref<128x128xf32, #tpu.memory_space<hbm>>
    %dma_wait3A_143 = arith.constant 0 : i32
    %dma_wait3A_144 = tpu.memref_slice %arg4[%add3A_88, %dma_wait3A_143] : memref<32768x128xf32, #tpu.memory_space<hbm>> -> memref<128x128xf32, #tpu.memory_space<hbm>>
    tpu.wait_dma2 semaphore(%arg21 : memref<!tpu.dma_semaphore, #tpu.memory_space<semaphore_mem>>) src(%arg9 : memref<128x128xf32, #tpu.memory_space<vmem>>) dst(%dma_wait3A_144 : memref<128x128xf32, #tpu.memory_space<hbm>>)
    %dma_wait3A_145 = arith.constant 0 : i32
    %dma_wait3A_146 = tpu.memref_slice %arg4[%add3A_99, %dma_wait3A_145] : memref<32768x128xf32, #tpu.memory_space<hbm>> -> memref<128x128xf32, #tpu.memory_space<hbm>>
    %dma_wait3A_147 = arith.constant 0 : i32
    %dma_wait3A_148 = tpu.memref_slice %arg4[%add3A_99, %dma_wait3A_147] : memref<32768x128xf32, #tpu.memory_space<hbm>> -> memref<128x128xf32, #tpu.memory_space<hbm>>
    tpu.wait_dma2 semaphore(%arg22 : memref<!tpu.dma_semaphore, #tpu.memory_space<semaphore_mem>>) src(%arg10 : memref<128x128xf32, #tpu.memory_space<vmem>>) dst(%dma_wait3A_148 : memref<128x128xf32, #tpu.memory_space<hbm>>)
    %dma_wait3A_149 = arith.constant 0 : i32
    %dma_wait3A_150 = tpu.memref_slice %arg4[%add3A_110, %dma_wait3A_149] : memref<32768x128xf32, #tpu.memory_space<hbm>> -> memref<128x128xf32, #tpu.memory_space<hbm>>
    %dma_wait3A_151 = arith.constant 0 : i32
    %dma_wait3A_152 = tpu.memref_slice %arg4[%add3A_110, %dma_wait3A_151] : memref<32768x128xf32, #tpu.memory_space<hbm>> -> memref<128x128xf32, #tpu.memory_space<hbm>>
    tpu.wait_dma2 semaphore(%arg23 : memref<!tpu.dma_semaphore, #tpu.memory_space<semaphore_mem>>) src(%arg11 : memref<128x128xf32, #tpu.memory_space<vmem>>) dst(%dma_wait3A_152 : memref<128x128xf32, #tpu.memory_space<hbm>>)
    %dma_wait3A_153 = arith.constant 0 : i32
    %dma_wait3A_154 = tpu.memref_slice %arg4[%add3A_121, %dma_wait3A_153] : memref<32768x128xf32, #tpu.memory_space<hbm>> -> memref<128x128xf32, #tpu.memory_space<hbm>>
    %dma_wait3A_155 = arith.constant 0 : i32
    %dma_wait3A_156 = tpu.memref_slice %arg4[%add3A_121, %dma_wait3A_155] : memref<32768x128xf32, #tpu.memory_space<hbm>> -> memref<128x128xf32, #tpu.memory_space<hbm>>
    tpu.wait_dma2 semaphore(%arg18 : memref<!tpu.dma_semaphore, #tpu.memory_space<semaphore_mem>>) src(%arg6 : memref<128x128xf32, #tpu.memory_space<vmem>>) dst(%dma_wait3A_156 : memref<128x128xf32, #tpu.memory_space<hbm>>)
    %dma_wait3A_157 = arith.constant 0 : i32
    %dma_wait3A_158 = tpu.memref_slice %arg4[%add3A_132, %dma_wait3A_157] : memref<32768x128xf32, #tpu.memory_space<hbm>> -> memref<128x128xf32, #tpu.memory_space<hbm>>
    %dma_wait3A_159 = arith.constant 0 : i32
    %dma_wait3A_160 = tpu.memref_slice %arg4[%add3A_132, %dma_wait3A_159] : memref<32768x128xf32, #tpu.memory_space<hbm>> -> memref<128x128xf32, #tpu.memory_space<hbm>>
    tpu.wait_dma2 semaphore(%arg19 : memref<!tpu.dma_semaphore, #tpu.memory_space<semaphore_mem>>) src(%arg7 : memref<128x128xf32, #tpu.memory_space<vmem>>) dst(%dma_wait3A_160 : memref<128x128xf32, #tpu.memory_space<hbm>>)
    return
  }
}

module attributes {stable_mosaic.version = 14 : i64} {
  func.func @_phase1_kernel(%arg0: i32, %arg1: memref<2048x65xf32, #tpu.memory_space<vmem>>, %arg2: memref<1024x65xf32, #tpu.memory_space<vmem>>, %arg3: memref<16x128xi32, #tpu.memory_space<vmem>>, %arg4: memref<1x2048xf32, #tpu.memory_space<vmem>>, %arg5: memref<1x2048xf32, #tpu.memory_space<vmem>>, %arg6: memref<1024x128xf32, #tpu.memory_space<vmem>>, %arg7: memref<1024x65xf32, #tpu.memory_space<vmem>>, %arg8: memref<1024x128xf32, #tpu.memory_space<vmem>>) attributes {dimension_semantics = [#tpu.dimension_semantics<arbitrary>], iteration_bounds = array<i64: 16>, scalar_prefetch = 0 : i64, scratch_operands = 2 : i64, tpu.core_type = #tpu.core_type<tc>, window_params = [{transform_indices = @transform_0, window_bounds = array<i64: 2048, 65>}, {pipeline_mode = #tpu.pipeline_mode<synchronous>, transform_indices = @transform_1, window_bounds = array<i64: 1024, 65>}, {transform_indices = @transform_2, window_bounds = array<i64: 16, 128>}, {transform_indices = @transform_3, window_bounds = array<i64: 1, 2048>}, {transform_indices = @transform_4, window_bounds = array<i64: 1, 2048>}, {pipeline_mode = #tpu.pipeline_mode<synchronous>, transform_indices = @transform_5, window_bounds = array<i64: 1024, 128>}]} {
    %eq3A = arith.constant 0 : i32
    %eq3A_0 = arith.cmpi eq, %arg0, %eq3A : i32
    %convert_element_type3A = arith.extui %eq3A_0 : i1 to i32
    %cond3A = arith.constant 0 : i32
    %cond3A_1 = arith.cmpi ne, %convert_element_type3A, %cond3A : i32
    scf.if %cond3A_1 {
      %get3A_68 = arith.constant 0 : index
      %get3A_69 = arith.constant 1 : index
      %get3A_70 = vector.load %arg2[%get3A_68, %get3A_69] : memref<1024x65xf32, #tpu.memory_space<vmem>>, vector<1024x64xf32>
      %mul3A_71 = arith.mulf %get3A_70, %get3A_70 : vector<1024x64xf32>
      %reduce_sum3A = arith.constant dense<0.000000e+00> : vector<1024xf32>
      %reduce_sum3A_72 = vector.multi_reduction <add>, %mul3A_71, %reduce_sum3A [1] : vector<1024x64xf32> to vector<1024xf32>
      %broadcast_in_dim3A_73 = vector.shape_cast %reduce_sum3A_72 : vector<1024xf32> to vector<1024x1xf32>
      %add3A_74 = arith.constant 1.000000e+00 : f32
      %add3A_75 = vector.broadcast %add3A_74 : f32 to vector<1024x1xf32>
      %add3A_76 = arith.addf %add3A_75, %broadcast_in_dim3A_73 : vector<1024x1xf32>
      %sqrt3A_77 = math.sqrt %add3A_76 : vector<1024x1xf32>
      %broadcast_in_dim3A_78 = arith.constant 0.000000e+00 : f32
      %broadcast_in_dim3A_79 = vector.broadcast %broadcast_in_dim3A_78 : f32 to vector<1024x63xf32>
      %concatenate3A = tpu.concatenate %sqrt3A_77, %get3A_70, %broadcast_in_dim3A_79 in 1 : vector<1024x1xf32>, vector<1024x64xf32>, vector<1024x63xf32> -> vector<1024x128xf32>
      %swap3A_80 = arith.constant 0 : index
      %swap3A_81 = arith.constant 0 : index
      %swap3A_82 = vector.load %arg6[%swap3A_80, %swap3A_81] : memref<1024x128xf32, #tpu.memory_space<vmem>>, vector<1024x128xf32>
      tpu.vector_store %arg6[%swap3A_80, %swap3A_81], %concatenate3A {strides = array<i32>} : memref<1024x128xf32, #tpu.memory_space<vmem>>, vector<1024x128xf32>,
      %neg3A_83 = arith.constant 0.000000e+00 : f32
      %neg3A_84 = vector.broadcast %neg3A_83 : f32 to vector<1024x1xf32>
      %neg3A_85 = arith.subf %neg3A_84, %sqrt3A_77 : vector<1024x1xf32>
      %concatenate3A_86 = tpu.concatenate %neg3A_85, %get3A_70 in 1 : vector<1024x1xf32>, vector<1024x64xf32> -> vector<1024x65xf32>
      %swap3A_87 = arith.constant 0 : index
      %swap3A_88 = arith.constant 0 : index
      %swap3A_89 = vector.load %arg7[%swap3A_87, %swap3A_88] : memref<1024x65xf32, #tpu.memory_space<vmem>>, vector<1024x65xf32>
      tpu.vector_store %arg7[%swap3A_87, %swap3A_88], %concatenate3A_86 {strides = array<i32>} : memref<1024x65xf32, #tpu.memory_space<vmem>>, vector<1024x65xf32>,
      %iota3A = tpu.iota {dimensions = array<i32: 0>} : vector<1024x128xi32>
      %sub3A_90 = arith.constant 1023 : i32
      %sub3A_91 = vector.broadcast %sub3A_90 : i32 to vector<1024x128xi32>
      %sub3A_92 = arith.subi %sub3A_91, %iota3A : vector<1024x128xi32>
      %convert_element_type3A_93 = arith.sitofp %sub3A_92 : vector<1024x128xi32> to vector<1024x128xf32>
      %swap3A_94 = arith.constant 0 : index
      %swap3A_95 = arith.constant 0 : index
      %swap3A_96 = vector.load %arg8[%swap3A_94, %swap3A_95] : memref<1024x128xf32, #tpu.memory_space<vmem>>, vector<1024x128xf32>
      tpu.vector_store %arg8[%swap3A_94, %swap3A_95], %convert_element_type3A_93 {strides = array<i32>} : memref<1024x128xf32, #tpu.memory_space<vmem>>, vector<1024x128xf32>,
    } else {
    }
    %get3A = arith.constant 0 : index
    %get3A_2 = arith.constant 0 : index
    %get3A_3 = vector.load %arg1[%get3A, %get3A_2] : memref<2048x65xf32, #tpu.memory_space<vmem>>, vector<2048x65xf32>
    %get3A_4 = arith.constant 0 : index
    %get3A_5 = arith.constant 0 : index
    %get3A_6 = vector.load %arg7[%get3A_4, %get3A_5] : memref<1024x65xf32, #tpu.memory_space<vmem>>, vector<1024x65xf32>
    %dot_general3A = arith.constant dense<0.000000e+00> : vector<1024x2048xf32>
    %dot_general3A_7 = tpu.matmul %get3A_6, %get3A_3, %dot_general3A {dimension_numbers = #tpu.dot_dimension_numbers<[1], [1], [0], [0], [0, 0, 1, 0], [], []>, transpose_lhs_hint = false} : vector<1024x65xf32>, vector<2048x65xf32>, vector<1024x2048xf32> -> vector<1024x2048xf32>
    %reduce_max3A = arith.constant dense<0xFF800000> : vector<2048xf32>
    %reduce_max3A_8 = vector.multi_reduction <maximumf>, %dot_general3A_7, %reduce_max3A [0] : vector<1024x2048xf32> to vector<2048xf32>
    %broadcast_in_dim3A = vector.shape_cast %reduce_max3A_8 : vector<2048xf32> to vector<1x2048xf32>
    %get3A_9 = arith.constant 0 : index
    %get3A_10 = arith.constant 0 : index
    %get3A_11 = vector.load %arg8[%get3A_9, %get3A_10] : memref<1024x128xf32, #tpu.memory_space<vmem>>, vector<1024x1xf32>
    %broadcast_in_dim3A_12 = vector.shape_cast %get3A_11 : vector<1024x1xf32> to vector<1024x1xf32>
    %broadcast_in_dim3A_13 = vector.broadcast %broadcast_in_dim3A_12 : vector<1024x1xf32> to vector<1024x2048xf32>
    %ge3A = vector.broadcast %broadcast_in_dim3A : vector<1x2048xf32> to vector<1024x2048xf32>
    %ge3A_14 = arith.cmpf oge, %dot_general3A_7, %ge3A : vector<1024x2048xf32>
    %jit3A = arith.constant -1.000000e+00 : f32
    %broadcast_in_dim3A_15 = vector.broadcast %jit3A : f32 to vector<1024x2048xf32>
    %select_n3A = arith.select %ge3A_14, %broadcast_in_dim3A_13, %broadcast_in_dim3A_15 : vector<1024x2048xi1>, vector<1024x2048xf32>
    %reduce_max3A_16 = arith.constant dense<0xFF800000> : vector<2048xf32>
    %reduce_max3A_17 = vector.multi_reduction <maximumf>, %select_n3A, %reduce_max3A_16 [0] : vector<1024x2048xf32> to vector<2048xf32>
    %broadcast_in_dim3A_18 = vector.shape_cast %reduce_max3A_17 : vector<2048xf32> to vector<1x2048xf32>
    %sub3A = arith.constant 1.023000e+03 : f32
    %sub3A_19 = vector.broadcast %sub3A : f32 to vector<1x2048xf32>
    %sub3A_20 = arith.subf %sub3A_19, %broadcast_in_dim3A_18 : vector<1x2048xf32>
    %convert_element_type3A_21 = arith.fptosi %sub3A_20 : vector<1x2048xf32> to vector<1x2048xi32>
    %neg3A = arith.constant 0.000000e+00 : f32
    %neg3A_22 = vector.broadcast %neg3A : f32 to vector<1x2048xf32>
    %neg3A_23 = arith.subf %neg3A_22, %broadcast_in_dim3A : vector<1x2048xf32>
    %max3A = arith.constant 1.00000012 : f32
    %max3A_24 = vector.broadcast %max3A : f32 to vector<1x2048xf32>
    %max3A_25 = arith.maximumf %neg3A_23, %max3A_24 : vector<1x2048xf32>
    %mul3A = arith.mulf %max3A_25, %max3A_25 : vector<1x2048xf32>
    %sub3A_26 = arith.constant 1.000000e+00 : f32
    %sub3A_27 = vector.broadcast %sub3A_26 : f32 to vector<1x2048xf32>
    %sub3A_28 = arith.subf %mul3A, %sub3A_27 : vector<1x2048xf32>
    %max3A_29 = arith.constant 0.000000e+00 : f32
    %max3A_30 = vector.broadcast %max3A_29 : f32 to vector<1x2048xf32>
    %max3A_31 = arith.maximumf %sub3A_28, %max3A_30 : vector<1x2048xf32>
    %sqrt3A = math.sqrt %max3A_31 : vector<1x2048xf32>
    %add3A = arith.addf %max3A_25, %sqrt3A : vector<1x2048xf32>
    %log3A = math.log %add3A : vector<1x2048xf32>
    %max3A_32 = arith.constant 1.000000e-07 : f32
    %max3A_33 = vector.broadcast %max3A_32 : f32 to vector<1x2048xf32>
    %max3A_34 = arith.maximumf %sub3A_28, %max3A_33 : vector<1x2048xf32>
    %sqrt3A_35 = math.sqrt %max3A_34 : vector<1x2048xf32>
    %mul3A_36 = arith.constant 1.000000e-01 : f32
    %mul3A_37 = vector.broadcast %mul3A_36 : f32 to vector<1x2048xf32>
    %mul3A_38 = arith.mulf %mul3A_37, %log3A : vector<1x2048xf32>
    %div3A = arith.divf %mul3A_38, %sqrt3A_35 : vector<1x2048xf32>
    %mul3A_39 = arith.mulf %div3A, %div3A : vector<1x2048xf32>
    %mul3A_40 = arith.mulf %mul3A_39, %sub3A_28 : vector<1x2048xf32>
    %max3A_41 = arith.constant 1.000000e-07 : f32
    %max3A_42 = vector.broadcast %max3A_41 : f32 to vector<1x2048xf32>
    %max3A_43 = arith.maximumf %mul3A_40, %max3A_42 : vector<1x2048xf32>
    %sqrt3A_44 = math.sqrt %max3A_43 : vector<1x2048xf32>
    %exp3A = math.exp %sqrt3A_44 : vector<1x2048xf32>
    %div3A_45 = arith.constant 1.000000e+00 : f32
    %div3A_46 = vector.broadcast %div3A_45 : f32 to vector<1x2048xf32>
    %div3A_47 = arith.divf %div3A_46, %exp3A : vector<1x2048xf32>
    %sub3A_48 = arith.subf %exp3A, %div3A_47 : vector<1x2048xf32>
    %mul3A_49 = arith.constant 5.000000e-01 : f32
    %mul3A_50 = vector.broadcast %mul3A_49 : f32 to vector<1x2048xf32>
    %mul3A_51 = arith.mulf %mul3A_50, %sub3A_48 : vector<1x2048xf32>
    %div3A_52 = arith.divf %mul3A_51, %sqrt3A_44 : vector<1x2048xf32>
    %mul3A_53 = arith.mulf %div3A_52, %div3A : vector<1x2048xf32>
    %add3A_54 = arith.addf %exp3A, %div3A_47 : vector<1x2048xf32>
    %mul3A_55 = arith.constant 5.000000e-01 : f32
    %mul3A_56 = vector.broadcast %mul3A_55 : f32 to vector<1x2048xf32>
    %mul3A_57 = arith.mulf %mul3A_56, %add3A_54 : vector<1x2048xf32>
    %mul3A_58 = arith.mulf %mul3A_53, %max3A_25 : vector<1x2048xf32>
    %sub3A_59 = arith.subf %mul3A_57, %mul3A_58 : vector<1x2048xf32>
    %reshape3A = vector.shape_cast %convert_element_type3A_21 : vector<1x2048xi32> to vector<16x128xi32>
    %swap3A = arith.constant 0 : index
    %swap3A_60 = arith.constant 0 : index
    %swap3A_61 = vector.load %arg3[%swap3A, %swap3A_60] : memref<16x128xi32, #tpu.memory_space<vmem>>, vector<16x128xi32>
    tpu.vector_store %arg3[%swap3A, %swap3A_60], %reshape3A {strides = array<i32>} : memref<16x128xi32, #tpu.memory_space<vmem>>, vector<16x128xi32>,
    %swap3A_62 = arith.constant 0 : index
    %swap3A_63 = arith.constant 0 : index
    %swap3A_64 = vector.load %arg4[%swap3A_62, %swap3A_63] : memref<1x2048xf32, #tpu.memory_space<vmem>>, vector<1x2048xf32>
    tpu.vector_store %arg4[%swap3A_62, %swap3A_63], %sub3A_59 {strides = array<i32>} : memref<1x2048xf32, #tpu.memory_space<vmem>>, vector<1x2048xf32>,
    %swap3A_65 = arith.constant 0 : index
    %swap3A_66 = arith.constant 0 : index
    %swap3A_67 = vector.load %arg5[%swap3A_65, %swap3A_66] : memref<1x2048xf32, #tpu.memory_space<vmem>>, vector<1x2048xf32>
    tpu.vector_store %arg5[%swap3A_65, %swap3A_66], %mul3A_53 {strides = array<i32>} : memref<1x2048xf32, #tpu.memory_space<vmem>>, vector<1x2048xf32>,
    return
  }
  func.func @transform_0(%arg0: i32) -> (i32, i32) {
    %c0_i32 = arith.constant 0 : i32
    %c0_i32_0 = arith.constant 0 : i32
    return %arg0, %c0_i32 : i32, i32
  }
  func.func @transform_1(%arg0: i32) -> (i32, i32) {
    %c0_i32 = arith.constant 0 : i32
    %c0_i32_0 = arith.constant 0 : i32
    %c0_i32_1 = arith.constant 0 : i32
    return %c0_i32, %c0_i32_0 : i32, i32
  }
  func.func @transform_2(%arg0: i32) -> (i32, i32) {
    %c0_i32 = arith.constant 0 : i32
    %c0_i32_0 = arith.constant 0 : i32
    return %arg0, %c0_i32 : i32, i32
  }
  func.func @transform_3(%arg0: i32) -> (i32, i32) {
    %c0_i32 = arith.constant 0 : i32
    %c0_i32_0 = arith.constant 0 : i32
    return %c0_i32, %arg0 : i32, i32
  }
  func.func @transform_4(%arg0: i32) -> (i32, i32) {
    %c0_i32 = arith.constant 0 : i32
    %c0_i32_0 = arith.constant 0 : i32
    return %c0_i32, %arg0 : i32, i32
  }
  func.func @transform_5(%arg0: i32) -> (i32, i32) {
    %c0_i32 = arith.constant 0 : i32
    %c0_i32_0 = arith.constant 0 : i32
    %c0_i32_1 = arith.constant 0 : i32
    return %c0_i32, %c0_i32_0 : i32, i32
  }
}

module attributes {stable_mosaic.version = 14 : i64} {
  func.func @_phase1_kernel(%arg0: i32, %arg1: memref<2048x65xf32, #tpu.memory_space<vmem>>, %arg2: memref<1024x65xf32, #tpu.memory_space<vmem>>, %arg3: memref<16x128xi32, #tpu.memory_space<vmem>>, %arg4: memref<1x2048xf32, #tpu.memory_space<vmem>>, %arg5: memref<1x2048xf32, #tpu.memory_space<vmem>>, %arg6: memref<1024x128xf32, #tpu.memory_space<vmem>>, %arg7: memref<1024x65xf32, #tpu.memory_space<vmem>>, %arg8: memref<1024x128xf32, #tpu.memory_space<vmem>>) attributes {dimension_semantics = [#tpu.dimension_semantics<arbitrary>], iteration_bounds = array<i64: 16>, scalar_prefetch = 0 : i64, scratch_operands = 2 : i64, tpu.core_type = #tpu.core_type<tc>, window_params = [{transform_indices = @transform_0, window_bounds = array<i64: 2048, 65>}, {pipeline_mode = #tpu.pipeline_mode<synchronous>, transform_indices = @transform_1, window_bounds = array<i64: 1024, 65>}, {transform_indices = @transform_2, window_bounds = array<i64: 16, 128>}, {transform_indices = @transform_3, window_bounds = array<i64: 1, 2048>}, {transform_indices = @transform_4, window_bounds = array<i64: 1, 2048>}, {pipeline_mode = #tpu.pipeline_mode<synchronous>, transform_indices = @transform_5, window_bounds = array<i64: 1024, 128>}]} {
    %eq3A = arith.constant 0 : i32
    %eq3A_0 = arith.cmpi eq, %arg0, %eq3A : i32
    %convert_element_type3A = arith.extui %eq3A_0 : i1 to i32
    %cond3A = arith.constant 0 : i32
    %cond3A_1 = arith.cmpi ne, %convert_element_type3A, %cond3A : i32
    scf.if %cond3A_1 {
      %get3A_68 = arith.constant 0 : index
      %get3A_69 = arith.constant 1 : index
      %get3A_70 = vector.load %arg2[%get3A_68, %get3A_69] : memref<1024x65xf32, #tpu.memory_space<vmem>>, vector<1024x64xf32>
      %mul3A_71 = arith.mulf %get3A_70, %get3A_70 : vector<1024x64xf32>
      %reduce_sum3A = arith.constant dense<0.000000e+00> : vector<1024xf32>
      %reduce_sum3A_72 = vector.multi_reduction <add>, %mul3A_71, %reduce_sum3A [1] : vector<1024x64xf32> to vector<1024xf32>
      %broadcast_in_dim3A_73 = vector.shape_cast %reduce_sum3A_72 : vector<1024xf32> to vector<1024x1xf32>
      %add3A_74 = arith.constant 1.000000e+00 : f32
      %add3A_75 = vector.broadcast %add3A_74 : f32 to vector<1024x1xf32>
      %add3A_76 = arith.addf %add3A_75, %broadcast_in_dim3A_73 : vector<1024x1xf32>
      %sqrt3A_77 = math.sqrt %add3A_76 : vector<1024x1xf32>
      %broadcast_in_dim3A_78 = arith.constant 0.000000e+00 : f32
      %broadcast_in_dim3A_79 = vector.broadcast %broadcast_in_dim3A_78 : f32 to vector<1024x63xf32>
      %concatenate3A = tpu.concatenate %sqrt3A_77, %get3A_70, %broadcast_in_dim3A_79 in 1 : vector<1024x1xf32>, vector<1024x64xf32>, vector<1024x63xf32> -> vector<1024x128xf32>
      %swap3A_80 = arith.constant 0 : index
      %swap3A_81 = arith.constant 0 : index
      %swap3A_82 = vector.load %arg6[%swap3A_80, %swap3A_81] : memref<1024x128xf32, #tpu.memory_space<vmem>>, vector<1024x128xf32>
      tpu.vector_store %arg6[%swap3A_80, %swap3A_81], %concatenate3A {strides = array<i32>} : memref<1024x128xf32, #tpu.memory_space<vmem>>, vector<1024x128xf32>,
      %neg3A_83 = arith.constant 0.000000e+00 : f32
      %neg3A_84 = vector.broadcast %neg3A_83 : f32 to vector<1024x1xf32>
      %neg3A_85 = arith.subf %neg3A_84, %sqrt3A_77 : vector<1024x1xf32>
      %concatenate3A_86 = tpu.concatenate %neg3A_85, %get3A_70 in 1 : vector<1024x1xf32>, vector<1024x64xf32> -> vector<1024x65xf32>
      %swap3A_87 = arith.constant 0 : index
      %swap3A_88 = arith.constant 0 : index
      %swap3A_89 = vector.load %arg7[%swap3A_87, %swap3A_88] : memref<1024x65xf32, #tpu.memory_space<vmem>>, vector<1024x65xf32>
      tpu.vector_store %arg7[%swap3A_87, %swap3A_88], %concatenate3A_86 {strides = array<i32>} : memref<1024x65xf32, #tpu.memory_space<vmem>>, vector<1024x65xf32>,
      %iota3A = tpu.iota {dimensions = array<i32: 0>} : vector<1024x128xi32>
      %sub3A_90 = arith.constant 1023 : i32
      %sub3A_91 = vector.broadcast %sub3A_90 : i32 to vector<1024x128xi32>
      %sub3A_92 = arith.subi %sub3A_91, %iota3A : vector<1024x128xi32>
      %convert_element_type3A_93 = arith.sitofp %sub3A_92 : vector<1024x128xi32> to vector<1024x128xf32>
      %swap3A_94 = arith.constant 0 : index
      %swap3A_95 = arith.constant 0 : index
      %swap3A_96 = vector.load %arg8[%swap3A_94, %swap3A_95] : memref<1024x128xf32, #tpu.memory_space<vmem>>, vector<1024x128xf32>
      tpu.vector_store %arg8[%swap3A_94, %swap3A_95], %convert_element_type3A_93 {strides = array<i32>} : memref<1024x128xf32, #tpu.memory_space<vmem>>, vector<1024x128xf32>,
    } else {
    }
    %get3A = arith.constant 0 : index
    %get3A_2 = arith.constant 0 : index
    %get3A_3 = vector.load %arg1[%get3A, %get3A_2] : memref<2048x65xf32, #tpu.memory_space<vmem>>, vector<2048x65xf32>
    %get3A_4 = arith.constant 0 : index
    %get3A_5 = arith.constant 0 : index
    %get3A_6 = vector.load %arg7[%get3A_4, %get3A_5] : memref<1024x65xf32, #tpu.memory_space<vmem>>, vector<1024x65xf32>
    %dot_general3A = arith.constant dense<0.000000e+00> : vector<1024x2048xf32>
    %dot_general3A_7 = tpu.matmul %get3A_6, %get3A_3, %dot_general3A {dimension_numbers = #tpu.dot_dimension_numbers<[1], [1], [0], [0], [0, 0, 1, 0], [], []>, transpose_lhs_hint = false} : vector<1024x65xf32>, vector<2048x65xf32>, vector<1024x2048xf32> -> vector<1024x2048xf32>
    %reduce_max3A = arith.constant dense<0xFF800000> : vector<2048xf32>
    %reduce_max3A_8 = vector.multi_reduction <maximumf>, %dot_general3A_7, %reduce_max3A [0] : vector<1024x2048xf32> to vector<2048xf32>
    %broadcast_in_dim3A = vector.shape_cast %reduce_max3A_8 : vector<2048xf32> to vector<1x2048xf32>
    %get3A_9 = arith.constant 0 : index
    %get3A_10 = arith.constant 0 : index
    %get3A_11 = vector.load %arg8[%get3A_9, %get3A_10] : memref<1024x128xf32, #tpu.memory_space<vmem>>, vector<1024x1xf32>
    %broadcast_in_dim3A_12 = vector.shape_cast %get3A_11 : vector<1024x1xf32> to vector<1024x1xf32>
    %broadcast_in_dim3A_13 = vector.broadcast %broadcast_in_dim3A_12 : vector<1024x1xf32> to vector<1024x2048xf32>
    %ge3A = vector.broadcast %broadcast_in_dim3A : vector<1x2048xf32> to vector<1024x2048xf32>
    %ge3A_14 = arith.cmpf oge, %dot_general3A_7, %ge3A : vector<1024x2048xf32>
    %jit3A = arith.constant -1.000000e+00 : f32
    %broadcast_in_dim3A_15 = vector.broadcast %jit3A : f32 to vector<1024x2048xf32>
    %select_n3A = arith.select %ge3A_14, %broadcast_in_dim3A_13, %broadcast_in_dim3A_15 : vector<1024x2048xi1>, vector<1024x2048xf32>
    %reduce_max3A_16 = arith.constant dense<0xFF800000> : vector<2048xf32>
    %reduce_max3A_17 = vector.multi_reduction <maximumf>, %select_n3A, %reduce_max3A_16 [0] : vector<1024x2048xf32> to vector<2048xf32>
    %broadcast_in_dim3A_18 = vector.shape_cast %reduce_max3A_17 : vector<2048xf32> to vector<1x2048xf32>
    %sub3A = arith.constant 1.023000e+03 : f32
    %sub3A_19 = vector.broadcast %sub3A : f32 to vector<1x2048xf32>
    %sub3A_20 = arith.subf %sub3A_19, %broadcast_in_dim3A_18 : vector<1x2048xf32>
    %convert_element_type3A_21 = arith.fptosi %sub3A_20 : vector<1x2048xf32> to vector<1x2048xi32>
    %neg3A = arith.constant 0.000000e+00 : f32
    %neg3A_22 = vector.broadcast %neg3A : f32 to vector<1x2048xf32>
    %neg3A_23 = arith.subf %neg3A_22, %broadcast_in_dim3A : vector<1x2048xf32>
    %max3A = arith.constant 1.00000012 : f32
    %max3A_24 = vector.broadcast %max3A : f32 to vector<1x2048xf32>
    %max3A_25 = arith.maximumf %neg3A_23, %max3A_24 : vector<1x2048xf32>
    %mul3A = arith.mulf %max3A_25, %max3A_25 : vector<1x2048xf32>
    %sub3A_26 = arith.constant 1.000000e+00 : f32
    %sub3A_27 = vector.broadcast %sub3A_26 : f32 to vector<1x2048xf32>
    %sub3A_28 = arith.subf %mul3A, %sub3A_27 : vector<1x2048xf32>
    %max3A_29 = arith.constant 0.000000e+00 : f32
    %max3A_30 = vector.broadcast %max3A_29 : f32 to vector<1x2048xf32>
    %max3A_31 = arith.maximumf %sub3A_28, %max3A_30 : vector<1x2048xf32>
    %sqrt3A = math.sqrt %max3A_31 : vector<1x2048xf32>
    %add3A = arith.addf %max3A_25, %sqrt3A : vector<1x2048xf32>
    %log3A = math.log %add3A : vector<1x2048xf32>
    %max3A_32 = arith.constant 1.000000e-07 : f32
    %max3A_33 = vector.broadcast %max3A_32 : f32 to vector<1x2048xf32>
    %max3A_34 = arith.maximumf %sub3A_28, %max3A_33 : vector<1x2048xf32>
    %sqrt3A_35 = math.sqrt %max3A_34 : vector<1x2048xf32>
    %mul3A_36 = arith.constant 1.000000e-01 : f32
    %mul3A_37 = vector.broadcast %mul3A_36 : f32 to vector<1x2048xf32>
    %mul3A_38 = arith.mulf %mul3A_37, %log3A : vector<1x2048xf32>
    %div3A = arith.divf %mul3A_38, %sqrt3A_35 : vector<1x2048xf32>
    %mul3A_39 = arith.mulf %div3A, %div3A : vector<1x2048xf32>
    %mul3A_40 = arith.mulf %mul3A_39, %sub3A_28 : vector<1x2048xf32>
    %max3A_41 = arith.constant 1.000000e-07 : f32
    %max3A_42 = vector.broadcast %max3A_41 : f32 to vector<1x2048xf32>
    %max3A_43 = arith.maximumf %mul3A_40, %max3A_42 : vector<1x2048xf32>
    %sqrt3A_44 = math.sqrt %max3A_43 : vector<1x2048xf32>
    %exp3A = math.exp %sqrt3A_44 : vector<1x2048xf32>
    %div3A_45 = arith.constant 1.000000e+00 : f32
    %div3A_46 = vector.broadcast %div3A_45 : f32 to vector<1x2048xf32>
    %div3A_47 = arith.divf %div3A_46, %exp3A : vector<1x2048xf32>
    %sub3A_48 = arith.subf %exp3A, %div3A_47 : vector<1x2048xf32>
    %mul3A_49 = arith.constant 5.000000e-01 : f32
    %mul3A_50 = vector.broadcast %mul3A_49 : f32 to vector<1x2048xf32>
    %mul3A_51 = arith.mulf %mul3A_50, %sub3A_48 : vector<1x2048xf32>
    %div3A_52 = arith.divf %mul3A_51, %sqrt3A_44 : vector<1x2048xf32>
    %mul3A_53 = arith.mulf %div3A_52, %div3A : vector<1x2048xf32>
    %add3A_54 = arith.addf %exp3A, %div3A_47 : vector<1x2048xf32>
    %mul3A_55 = arith.constant 5.000000e-01 : f32
    %mul3A_56 = vector.broadcast %mul3A_55 : f32 to vector<1x2048xf32>
    %mul3A_57 = arith.mulf %mul3A_56, %add3A_54 : vector<1x2048xf32>
    %mul3A_58 = arith.mulf %mul3A_53, %max3A_25 : vector<1x2048xf32>
    %sub3A_59 = arith.subf %mul3A_57, %mul3A_58 : vector<1x2048xf32>
    %reshape3A = vector.shape_cast %convert_element_type3A_21 : vector<1x2048xi32> to vector<16x128xi32>
    %swap3A = arith.constant 0 : index
    %swap3A_60 = arith.constant 0 : index
    %swap3A_61 = vector.load %arg3[%swap3A, %swap3A_60] : memref<16x128xi32, #tpu.memory_space<vmem>>, vector<16x128xi32>
    tpu.vector_store %arg3[%swap3A, %swap3A_60], %reshape3A {strides = array<i32>} : memref<16x128xi32, #tpu.memory_space<vmem>>, vector<16x128xi32>,
    %swap3A_62 = arith.constant 0 : index
    %swap3A_63 = arith.constant 0 : index
    %swap3A_64 = vector.load %arg4[%swap3A_62, %swap3A_63] : memref<1x2048xf32, #tpu.memory_space<vmem>>, vector<1x2048xf32>
    tpu.vector_store %arg4[%swap3A_62, %swap3A_63], %sub3A_59 {strides = array<i32>} : memref<1x2048xf32, #tpu.memory_space<vmem>>, vector<1x2048xf32>,
    %swap3A_65 = arith.constant 0 : index
    %swap3A_66 = arith.constant 0 : index
    %swap3A_67 = vector.load %arg5[%swap3A_65, %swap3A_66] : memref<1x2048xf32, #tpu.memory_space<vmem>>, vector<1x2048xf32>
    tpu.vector_store %arg5[%swap3A_65, %swap3A_66], %mul3A_53 {strides = array<i32>} : memref<1x2048xf32, #tpu.memory_space<vmem>>, vector<1x2048xf32>,
    return
  }
  func.func @transform_0(%arg0: i32) -> (i32, i32) {
    %c0_i32 = arith.constant 0 : i32
    %c0_i32_0 = arith.constant 0 : i32
    return %arg0, %c0_i32 : i32, i32
  }
  func.func @transform_1(%arg0: i32) -> (i32, i32) {
    %c0_i32 = arith.constant 0 : i32
    %c0_i32_0 = arith.constant 0 : i32
    %c0_i32_1 = arith.constant 0 : i32
    return %c0_i32, %c0_i32_0 : i32, i32
  }
  func.func @transform_2(%arg0: i32) -> (i32, i32) {
    %c0_i32 = arith.constant 0 : i32
    %c0_i32_0 = arith.constant 0 : i32
    return %arg0, %c0_i32 : i32, i32
  }
  func.func @transform_3(%arg0: i32) -> (i32, i32) {
    %c0_i32 = arith.constant 0 : i32
    %c0_i32_0 = arith.constant 0 : i32
    return %c0_i32, %arg0 : i32, i32
  }
  func.func @transform_4(%arg0: i32) -> (i32, i32) {
    %c0_i32 = arith.constant 0 : i32
    %c0_i32_0 = arith.constant 0 : i32
    return %c0_i32, %arg0 : i32, i32
  }
  func.func @transform_5(%arg0: i32) -> (i32, i32) {
    %c0_i32 = arith.constant 0 : i32
    %c0_i32_0 = arith.constant 0 : i32
    %c0_i32_1 = arith.constant 0 : i32
    return %c0_i32, %c0_i32_0 : i32, i32
  }
}

module attributes {stable_mosaic.version = 14 : i64} {
  func.func @_tail_kernel(%arg0: i32, %arg1: memref<2048x65xf32, #tpu.memory_space<vmem>>, %arg2: memref<2048x128xf32, #tpu.memory_space<vmem>>, %arg3: memref<1x2048xf32, #tpu.memory_space<vmem>>, %arg4: memref<1x2048xf32, #tpu.memory_space<vmem>>, %arg5: memref<2048x65xf32, #tpu.memory_space<vmem>>) attributes {dimension_semantics = [#tpu.dimension_semantics<arbitrary>], iteration_bounds = array<i64: 16>, scalar_prefetch = 0 : i64, scratch_operands = 0 : i64, tpu.core_type = #tpu.core_type<tc>, window_params = [{transform_indices = @transform_0, window_bounds = array<i64: 2048, 65>}, {transform_indices = @transform_1, window_bounds = array<i64: 2048, 128>}, {transform_indices = @transform_2, window_bounds = array<i64: 1, 2048>}, {transform_indices = @transform_3, window_bounds = array<i64: 1, 2048>}, {transform_indices = @transform_4, window_bounds = array<i64: 2048, 65>}]} {
    %get3A = arith.constant 0 : index
    %get3A_0 = arith.constant 0 : index
    %get3A_1 = vector.load %arg3[%get3A, %get3A_0] : memref<1x2048xf32, #tpu.memory_space<vmem>>, vector<1x2048xf32>
    %transpose3A = tpu.transpose %get3A_1, [1, 0] : vector<1x2048xf32> -> vector<2048x1xf32>
    %get3A_2 = arith.constant 0 : index
    %get3A_3 = arith.constant 0 : index
    %get3A_4 = vector.load %arg4[%get3A_2, %get3A_3] : memref<1x2048xf32, #tpu.memory_space<vmem>>, vector<1x2048xf32>
    %transpose3A_5 = tpu.transpose %get3A_4, [1, 0] : vector<1x2048xf32> -> vector<2048x1xf32>
    %get3A_6 = arith.constant 0 : index
    %get3A_7 = arith.constant 0 : index
    %get3A_8 = vector.load %arg1[%get3A_6, %get3A_7] : memref<2048x65xf32, #tpu.memory_space<vmem>>, vector<2048x65xf32>
    %mul3A = vector.broadcast %transpose3A : vector<2048x1xf32> to vector<2048x65xf32>
    %mul3A_9 = arith.mulf %mul3A, %get3A_8 : vector<2048x65xf32>
    %get3A_10 = arith.constant 0 : index
    %get3A_11 = arith.constant 0 : index
    %get3A_12 = vector.load %arg2[%get3A_10, %get3A_11] : memref<2048x128xf32, #tpu.memory_space<vmem>>, vector<2048x65xf32>
    %mul3A_13 = vector.broadcast %transpose3A_5 : vector<2048x1xf32> to vector<2048x65xf32>
    %mul3A_14 = arith.mulf %mul3A_13, %get3A_12 : vector<2048x65xf32>
    %add3A = arith.addf %mul3A_9, %mul3A_14 : vector<2048x65xf32>
    %swap3A = arith.constant 0 : index
    %swap3A_15 = arith.constant 0 : index
    %swap3A_16 = vector.load %arg5[%swap3A, %swap3A_15] : memref<2048x65xf32, #tpu.memory_space<vmem>>, vector<2048x65xf32>
    tpu.vector_store %arg5[%swap3A, %swap3A_15], %add3A {strides = array<i32>} : memref<2048x65xf32, #tpu.memory_space<vmem>>, vector<2048x65xf32>,
    return
  }
  func.func @transform_0(%arg0: i32) -> (i32, i32) {
    %c0_i32 = arith.constant 0 : i32
    %c0_i32_0 = arith.constant 0 : i32
    return %arg0, %c0_i32 : i32, i32
  }
  func.func @transform_1(%arg0: i32) -> (i32, i32) {
    %c0_i32 = arith.constant 0 : i32
    %c0_i32_0 = arith.constant 0 : i32
    return %arg0, %c0_i32 : i32, i32
  }
  func.func @transform_2(%arg0: i32) -> (i32, i32) {
    %c0_i32 = arith.constant 0 : i32
    %c0_i32_0 = arith.constant 0 : i32
    return %c0_i32, %arg0 : i32, i32
  }
  func.func @transform_3(%arg0: i32) -> (i32, i32) {
    %c0_i32 = arith.constant 0 : i32
    %c0_i32_0 = arith.constant 0 : i32
    return %c0_i32, %arg0 : i32, i32
  }
  func.func @transform_4(%arg0: i32) -> (i32, i32) {
    %c0_i32 = arith.constant 0 : i32
    %c0_i32_0 = arith.constant 0 : i32
    return %arg0, %c0_i32 : i32, i32
  }
}

</mosaic_0001>

<sc_bundles>
// kernel: kernel.11.cloned.1.call-start
scs
__scs_entry_jumppad:
0x0: {  	(pc) =	sbr.rel $0x88, $3  }
0x1: {  	(tag) =	ssettag $0x0;
	lr =	simm.s32 $0x1  }
0x2: {  	[smem:$0x3F9F] =	sst lr;
	_ =	strace $0xD0000000  }
0x3: {  	_ = 	snop  }
0x4: {  	_ = 	snop  }
0x5: {  	_ = 	snop  }
0x6: {  	_ = 	snop  }
0x7: {  	_ = 	snop  }
__scs_overlays_trampoline_lowered:
0x8: {  	[smem:$0x3FAE] =	sst s0  }
0x9: {  	[smem:$0x3FAF] =	sst s1  }
0xa: {  	[smem:$0x3FB0] =	sst s2  }
0xb: {  	[smem:$0x3FB1] =	sst s3  }
0xc: {  	[smem:$0x3FB2] =	sst s4  }
0xd: {  	[smem:$0x3FB3] =	sst s5  }
0xe: {  	[smem:$0x3FB4] =	sst s6  }
0xf: {  	[smem:$0x3FB5] =	sst s7  }
0x10: {  	[smem:$0x3FB6] =	sst s8  }
0x11: {  	[smem:$0x3FB7] =	sst s9;
	s0 =	simm.s32 @!p0 $0x0  }
0x12: {  	s1 =	sld [smem:$0x3F9D];
	s0 =	simm.s32 @p0 $0x1  }
0x13: {  	[smem:$0x3FB8] =	sst s0;
	s0 =	simm.s32 @!p1 $0x0  }
0x14: {  	s2 =	sld [smem:$0x3F9C];
	s0 =	simm.s32 @p1 $0x1  }
0x15: {  	[smem:$0x3FB9] =	sst s0;
	s0 =	simm.s32 @!p2 $0x0  }
0x16: {  	s3 =	sld [smem:$0x3FDB];
	s0 =	simm.s32 @p2 $0x1  }
0x17: {  	s4 =	simm.s32 $0x1BF5;
	[smem:$0x3FBB] =	sst s0  }
0x18: {  	s0 =	sld [smem:$0x3F9E];
	_ =	swait.ge [sflag:s4], $0x0  }
0x19: {  	s7 =	sld [smem:$0x3F9F]  }
0x1a: {  	s8 =	sadd.s32 $0xFFFFE003, lr  }
0x1b: {  	s9 =	sadd.s32 $0xFFFFFEF7, lr;
	s5 =	simm.s32 $0xFFFFFFFF;
	p2 =	slt.u32 s8, $0xFFFFF086  }
0x1c: {  	p1 =	slt.u32 s9, $0xF7A;
	s5 =	simm.s32 @!p2 $0x0  }
0x1d: {  	s5 =	simm.s32 @p1 $0x1;
	p0 =	seq.s32 s7, s2  }
0x1e: {  	s7 =	smul.u32 @!p0 $0xF7A, s2;
	p2 =	seq.s32 @!p0 s5, $0x0  }
0x1f: {  	s9 =	smul.u32 $0xF7A, s1;
	s8 =	simm.s32 @!p0 $0x1BF5;
	p2 =	por !p2, p0  }
0x20: {  	[sflag:s8] =	ssyncset.s32 @!p0 $0xFFFFF086;
	s6 =	sadd.s32 @!p0 s3, s7;
	s7 =	simm.s32 @!p0 $0x108  }
0x21: {  	s3 =	sadd.s32 s3, s9;
	s6 =	sadd.s32 @!p0 $0x88, s6;
	s7 =	simm.s32 @p2 $0x1082  }
0x22: {  	[simem:s7], [sflag:s8] =	dma.local @!p0 [hbm:s6], $0xF7A  }
0x23: {  	s9 =	sor.u32 $0xD0000000, s2;
	s6 =	simm.s32 $0x108;
	_ =	swait.ge @!p0 [sflag:s8], $0x0  }
0x24: {  	s3 =	sadd.s32 $0x88, s3;
	s6 =	simm.s32 @!p1 $0x1082;
	[sflag:s4] =	ssyncset.s32 $0xFFFFF086  }
0x25: {  	[simem:s6], [sflag:s4] =	dma.local [hbm:s3], $0xF7A  }
0x26: {  	[smem:$0x3F9F] =	sst s1;
	(tag) =	ssettag s2;
	_ =	strace s9  }
0x27: {  	s1 =	sld [smem:$0x3FAF]  }
0x28: {  	s2 =	sld [smem:$0x3FB0]  }
0x29: {  	s4 =	sld [smem:$0x3FB2]  }
0x2a: {  	p0 =	seq.s32 s5, $0x0;
	s5 =	sld [smem:$0x3FB3]  }
0x2b: {  	s6 =	sld [smem:$0x3FB4]  }
0x2c: {  	s7 =	sld [smem:$0x3FB5]  }
0x2d: {  	s3 =	simm.s32 $0x108;
	s8 =	sld [smem:$0x3FB6]  }
0x2e: {  	s3 =	simm.s32 @!p0 $0x1082;
	s9 =	sld [smem:$0x3FB7]  }
0x2f: {  	lr =	sadd.s32 s0, s3;
	s0 =	sld [smem:$0x3FAE]  }
0x30: {  	s3 =	sld [smem:$0x3FB1]  }
0x31: {  	[smem:$0x3FBA] =	sst s10  }
0x32: {  	s10 =	sld [smem:$0x3FB8];
	_ =	sdelay $0x3  }
0x33: {  	p0 =	seq.s32 s10, $0x1;
	s10 =	sld [smem:$0x3FBA];
	_ =	sdelay $0x3  }
0x34: {  	[smem:$0x3FBA] =	sst s10  }
0x35: {  	s10 =	sld [smem:$0x3FB9];
	_ =	sdelay $0x3  }
0x36: {  	p1 =	seq.s32 s10, $0x1;
	s10 =	sld [smem:$0x3FBA];
	_ =	sdelay $0x3  }
0x37: {  	[smem:$0x3FBA] =	sst s10  }
0x38: {  	s10 =	sld [smem:$0x3FBB]  }
0x39: {  	_ = 	snop;
	(pc) =	sbr.ind lr, $3  }
0x3a: {  	_ = 	snop  }
0x3b: {  	_ = 	snop  }
0x3c: {  	p2 =	seq.s32 s10, $0x1;
	s10 =	sld [smem:$0x3FBA]  }
0x3d: {  	_ =	shalt  }
0x3e: {  	_ =	shalt  }
0x3f: {  	_ =	shalt  }
0x40: {  	_ =	shalt  }
0x41: {  	_ =	shalt  }
0x42: {  	_ =	shalt  }
0x43: {  	_ =	shalt  }
0x44: {  	_ =	shalt  }
0x45: {  	_ =	shalt  }
0x46: {  	_ =	shalt  }
0x47: {  	_ =	shalt  }
0x48: {  	_ =	shalt  }
0x49: {  	_ =	shalt  }
0x4a: {  	_ =	shalt  }
0x4b: {  	_ =	shalt  }
0x4c: {  	_ =	shalt  }
0x4d: {  	_ =	shalt  }
0x4e: {  	_ =	shalt  }
0x4f: {  	_ =	shalt  }
0x50: {  	_ =	shalt  }
0x51: {  	_ =	shalt  }
0x52: {  	_ =	shalt  }
0x53: {  	_ =	shalt  }
0x54: {  	_ =	shalt  }
0x55: {  	_ =	shalt  }
0x56: {  	_ =	shalt  }
0x57: {  	_ =	shalt  }
0x58: {  	_ =	shalt  }
0x59: {  	_ =	shalt  }
0x5a: {  	_ =	shalt  }
0x5b: {  	_ =	shalt  }
0x5c: {  	_ =	shalt  }
0x5d: {  	_ =	shalt  }
0x5e: {  	_ =	shalt  }
0x5f: {  	_ =	shalt  }
0x60: {  	_ =	shalt  }
0x61: {  	_ =	shalt  }
0x62: {  	_ =	shalt  }
0x63: {  	_ =	shalt  }
0x64: {  	_ =	shalt  }
0x65: {  	_ =	shalt  }
0x66: {  	_ =	shalt  }
0x67: {  	_ =	shalt  }
0x68: {  	_ =	shalt  }
0x69: {  	_ =	shalt  }
0x6a: {  	_ =	shalt  }
0x6b: {  	_ =	shalt  }
0x6c: {  	_ =	shalt  }
0x6d: {  	_ =	shalt  }
0x6e: {  	_ =	shalt  }
0x6f: {  	_ =	shalt  }
0x70: {  	_ =	shalt  }
0x71: {  	_ =	shalt  }
0x72: {  	_ =	shalt  }
0x73: {  	_ =	shalt  }
0x74: {  	_ =	shalt  }
0x75: {  	_ =	shalt  }
0x76: {  	_ =	shalt  }
0x77: {  	_ =	shalt  }
0x78: {  	_ =	shalt  }
0x79: {  	_ =	shalt  }
0x7a: {  	_ =	shalt  }
0x7b: {  	_ =	shalt  }
0x7c: {  	_ =	shalt  }
0x7d: {  	_ =	shalt  }
0x7e: {  	_ =	shalt  }
0x7f: {  	_ =	shalt  }
0x80: {  	_ =	shalt  }
0x81: {  	_ =	shalt  }
0x82: {  	_ =	shalt  }
0x83: {  	_ =	shalt  }
0x84: {  	_ =	shalt  }
0x85: {  	_ =	shalt  }
0x86: {  	_ =	shalt  }
0x87: {  	_ =	shalt  }
.Lfunc_end0:
.L_simem_size_0:
called_computation.1_lowered:
.L_overlay_start_0:
0x88: {  	s2 =	sld [smem:$0x3FD9]  }
0x89: {  	s3 =	sld [smem:$0x3FFE];
	_ =	sdelay $0x1  }
0x8a: {  	s1 =	srdreg.scid  }
0x8b: {  	s0 =	sand.u32 $0x1, s1  }
0x8c: {  	s17 =	sshll.u32 s0, $0xA;
	s2 =	sadd.s32 s3, s2  }
0x8d: {  	s2 =	sadd.s32 s2, s17  }
0x8e: {  	[smem:$0x3FC6] =	sst s2  }
0x8f: {  	_ = 	snop  }
0x90: {  	(tm) =	ssettm $0x1  }
0x91: {  	s18 =	sld [smem:$0x3FFB];
	_ =	sdelay $0x3  }
0x92: {  	_ =	strace s18  }
0x93: {  	s2 =	sld [smem:$0x3FFC];
	_ =	sdelay $0x3  }
0x94: {  	_ =	strace s2  }
0x95: {  	s2 =	sld [smem:$0x3FFD];
	_ =	sdelay $0x3  }
0x96: {  	_ =	strace s2  }
0x97: {  	_ =	strace $0x8FFFFFFF  }
0x98: {  	s19 =	sld [smem:$0x3FDB];
	_ =	sdelay $0x1  }
0x99: {  	s20 =	simm.s32 $_scs_section_size  }
0x9a: {  	s4 =	simm.s32 $_size__tile_overlayer_lowered;
	s5 =	simm.s32 $_tile_overlayer_lowered  }
0x9b: {  	s6 =	simm.s32 $0x1BFF;
	s21 =	sshll.u32 s5, $0x1;
	s3 =	sadd.s32 s20, s19  }
0x9c: {  	s22 =	simm.s32 $0x0;
	s4 =	sshll.u32 s4, $0x1;
	s5 =	sadd.s32 s21, s3  }
0x9d: {  	[timem:s22], [sflag:s6] =	dma.local [hbm:s5], s4  }
0x9e: {  	_ =	swait.ge [sflag:s6], s4  }
0x9f: {  	s4 =	ssub.s32 $0x0, s4;
	[sflag:s6] =	ssyncset.done $0x0  }
0xa0: {  	[sflag:s6] =	ssyncadd.s32 s4;
	_ =	sdelay $0x1  }
0xa1: {  	s23 =	simm.s32 $0x1B8B  }
0xa2: {  	_ =	swait.ge [sflag:s23], $0x1  }
0xa3: {  	[sflag:s23] =	ssyncset.done $0x0  }
0xa4: {  	[sflag:s23] =	ssyncadd.s32 $0xFFFFFFFF  }
0xa5: {  	s4 =	sld [smem:$0x0]  }
0xa6: {  	s5 =	sand.u32 $0xFFFFFFFE, s1  }
0xa7: {  	p0 =	sne.s32 s1, s5  }
0xa8: {  	s5 =	sshll.u32 @p0 s5, $0xE  }
0xa9: {  	s5 =	sadd.s32 @p0 $0x11B8D, s5;
	s6 =	sshll.u32 @p0 s4, $0x11  }
0xaa: {  	s5 =	sor.u32 @p0 s6, s5  }
0xab: {  	[sflag:s5] =	ssyncadd.remote.s32 @p0 $0x1;
	_ =	sdelay $0x1  }
0xac: {  	s5 =	simm.s32 @p0 $0x1B8D  }
0xad: {  	_ =	swait.eq @p0 [sflag:s5], $0x1  }
0xae: {  	[sflag:s5] =	ssyncadd.s32 @p0 $0xFFFFFFFF  }
0xaf: {  	s6 =	sshll.u32 @!p0 s1, $0xE  }
0xb0: {  	s6 =	sor.u32 @!p0 $0x4000, s6;
	s5 =	simm.s32 @!p0 $0x1B8D  }
0xb1: {  	s4 =	sshll.u32 @!p0 s4, $0x11;
	s6 =	sadd.s32 @!p0 $0x11B8D, s6;
	_ =	swait.eq @!p0 [sflag:s5], $0x1  }
0xb2: {  	s4 =	sor.u32 @!p0 s4, s6;
	[sflag:s5] =	ssyncadd.s32 @!p0 $0xFFFFFFFF  }
0xb3: {  	s25 =	simm.s32 $0x1B8E;
	s24 =	sld [smem:$0x3FFE];
	[sflag:s4] =	ssyncadd.remote.s32 @!p0 $0x1  }
0xb4: {  	s26 =	simm.s32 $execute0_lowered;
	[smem:$0x3FD2] =	sst s25  }
0xb5: {  	s5 =	sshll.u32 s26, $0x1;
	_ =	strace $0x80000049;
	[dreg:$0x1] =	wrdreg $0xFFFFFFFF  }
0xb6: {  	s28 =	simm.s32 $_size_execute0_lowered;
	s3 =	sadd.s32 s3, s5;
	[dreg:$0x0] =	wrdreg $0x0  }
0xb7: {  	s5 =	sshll.u32 s28, $0x1;
	[dreg:$0x2] =	wrdreg s3  }
0xb8: {  	[dreg:$0x3] =	wrdreg s5  }
0xb9: {  	[dreg:$0x4] =	wrdreg $0xC0  }
0xba: {  	_ =	task [dreg:s22], $0x5FFFF  }
0xbb: {  	[dreg:$0x1] =	wrdreg $0xFFFFFFFF  }
0xbc: {  	[dreg:$0x0] =	wrdreg $0x60  }
0xbd: {  	[dreg:$0x2] =	wrdreg s24  }
0xbe: {  	[dreg:$0x3] =	wrdreg $0xA  }
0xbf: {  	_ =	task.clear_ibuf [dreg:s22], $0x4FFFF;
	_ =	strace $0x90000049  }
0xc0: {  	s29 =	simm.s32 $0xA;
	_ =	strace $0x8000004B  }
0xc1: {  	_ =	swait.ge [sflag:s29], $0x1  }
0xc2: {  	[sflag:s29] =	ssyncadd.s32 $0xFFFFFFFF  }
0xc3: {  	_ =	strace $0x9000004B  }
0xc4: {  	_ =	sfence  }
0xc5: {  	s30 =	sld [smem:$0x0];
	_ =	sdelay $0x2  }
0xc6: {  	s31 =	sshll.u32 s1, $0xD;
	s1 =	sshrl.u32 s1, $0x2  }
0xc7: {  	s4 =	sand.u32 $0x4000, s31;
	s1 =	sadd.s32 s1, s30  }
0xc8: {  	s0 =	sor.u32 s4, s0;
	s1 =	sshll.u32 s1, $0x11  }
0xc9: {  	s0 =	sor.u32 s1, s0  }
0xca: {  	s0 =	sadd.s32 $0x8F2B, s0  }
0xcb: {  	[sflag:s0] =	ssyncadd.remote.s32 $0x1  }
0xcc: {  	_ =	sfence.sel $0xFFFF  }
0xcd: {  	[dreg:$0x0] =	wrdreg $0xFFFFFFFF;
	(pc) =	sbr.abs _section_cstart, $3  }
0xce: {  	[dreg:$0x1] =	wrdreg $0xFFFFFFFF  }
0xcf: {  	_ =	task.clear_ibuf [dreg:s22], $0x2FFFF;
	_ =	strace $0x9FFFFFFF  }
0xd0: {  	(tm) =	ssettm $0x7FFFFFFF  }
0xd1: {  	_ =	shalt  }
tec
execute0_lowered:
.L_overlay_start_1:
0x0: {  	(tag) =	ssettag $0x1  }
0x1: {  	s0 =	srdreg.scid  }
0x2: {  	s1 =	stileid.u32;
	s3 =	rddreg [dreg:$0x0];
	s7 =	simm.s32 $0x400  }
0x3: {  	s6 =	simm.s32 $0x4400;
	s28 =	simm.s32 $0x100;
	s18 =	simm.s32 $0x8400  }
0x4: {  	s29 =	simm.s32 $0x180;
	s17 =	simm.s32 $0xC400;
	s30 =	simm.s32 $0x200  }
0x5: {  	s16 =	simm.s32 $0x10400;
	s31 =	simm.s32 $0x280;
	s13 =	simm.s32 $0x14400  }
0x6: {  	s11 =	simm.s32 $0x1;
	s9 =	simm.s32 $0x2;
	s5 =	simm.s32 $0x8  }
0x7: {  	p0 =	por $0x0, $0x0;
	s15 =	simm.s32 $0x9;
	s0 =	sand.u32 $0x1, s0  }
0x8: {  	s14 =	simm.s32 $0xA;
	s1 =	sshll.u32 s1, $0xB;
	s2 =	sshll.u32 s0, $0xA  }
0x9: {  	s12 =	simm.s32 $0xB;
	s10 =	simm.s32 $0xC;
	s1 =	sor.u32 s2, s1  }
0xa: {  	s8 =	sadd.s32 $0x81C00, s3;
	s0 =	ssub.s32 $0x2, s0;
	s4 =	sshrl.u32 s1, $0x3  }
0xb: {  	s2 =	simm.s32 $0x0;
	s1 =	sshll.u32 s1, $0x4;
	s4 =	sadd.s32 s4, s3  }
0xc: {  	[smem:$0x7FF] =	sst s2;
	s1 =	sadd.s32 s1, s3;
	s4 =	sadd.s32 $0x106C00, s4  }
0xd: {  	_ =	strace $0x8000004A;
	s19 =	sadd.s32 $0x107C00, s1;
	[dreg:$0x2] =	wrdreg s4  }
0xe: {  	s24 =	sshrl.u32 s0, $0x1;
	s20 =	sadd.s32 $0x108400, s1;
	[dreg:$0x3] =	wrdreg s19  }
0xf: {  	s0 =	ssub.s32 s0, s24;
	s21 =	sadd.s32 $0x108C00, s1;
	[dreg:$0x4] =	wrdreg s20  }
0x10: {  	s24 =	simm.s32 $0x380;
	s22 =	sadd.s32 $0x109400, s1;
	[dreg:$0x5] =	wrdreg s21  }
0x11: {  	s0 =	smax.u32 s0, $0x1;
	s23 =	sadd.s32 $0x109C00, s1;
	[dreg:$0x6] =	wrdreg s22  }
0x12: {  	s25 =	sadd.s32 $0x10A400, s1;
	p1 =	sne.s32 s0, $0x1;
	[dreg:$0x7] =	wrdreg s23  }
.Ltmp0:
0x13: {  	s26 =	sadd.s32 $0x10AC00, s1;
	[dreg:$0x8] =	wrdreg s25;
	(pc) =	sbr.rel @!p1 .LBB2_3-.Ltmp0, $4  }
0x14: {  	s3 =	sadd.s32 $0x10B400, s1;
	s1 =	sadd.s32 $0xFFFFFFFF, s0;
	[dreg:$0x9] =	wrdreg s26  }
0x15: {  	s26 =	simm.s32 $0xD;
	s19 =	simm.s32 $0x80;
	s4 =	simm.s32 $0x7  }
0x16: {  	s25 =	simm.s32 $0x300;
	s23 =	simm.s32 $0x3;
	s22 =	simm.s32 $0x4  }
0x17: {  	s21 =	simm.s32 $0x5;
	s20 =	simm.s32 $0x6;
	s0 =	rddreg [dreg:$0x2]  }
0x18: {  	[tilespmem:s2], [sflag:$0xD] =	stream.linear.gather [hbm4b:s0+s2], $0x400, $0x38;
	[tilespmem:$0x18400] =	vst v63  }
0x19: {  	_ =	swait.ge [sflag:s26], $0x400  }
0x1a: {  	[sflag:s26] =	ssyncset.done $0x0  }
0x1b: {  	[sflag:s26] =	ssyncadd.s32 $0xFFFFFC00  }
0x1c: {  	[tilespmem:s7], [sflag:$0x1] =	stream.indirect.gather [hbm4b:s8+s19], $0x80, s2, s19, $0xb8;
	[tilespmem:$0x18400] =	vst v63  }
0x1d: {  	_ = 	snop  }
0x1e: {  	[tilespmem:s6], [sflag:$0x2] =	stream.indirect.gather [hbm4b:s8+s19], $0x80, s19, s19, $0xb8;
	[tilespmem:$0x18400] =	vst v63  }
0x1f: {  	_ = 	snop  }
0x20: {  	[tilespmem:s18], [sflag:$0x3] =	stream.indirect.gather [hbm4b:s8+s19], $0x80, s28, s19, $0xb8;
	[tilespmem:$0x18400] =	vst v63  }
0x21: {  	_ = 	snop  }
0x22: {  	[tilespmem:s17], [sflag:$0x4] =	stream.indirect.gather [hbm4b:s8+s19], $0x80, s29, s19, $0xb8;
	[tilespmem:$0x18400] =	vst v63  }
0x23: {  	_ = 	snop  }
0x24: {  	[tilespmem:s16], [sflag:$0x5] =	stream.indirect.gather [hbm4b:s8+s19], $0x80, s30, s19, $0xb8;
	[tilespmem:$0x18400] =	vst v63  }
0x25: {  	_ = 	snop  }
0x26: {  	[tilespmem:s13], [sflag:$0x6] =	stream.indirect.gather [hbm4b:s8+s19], $0x80, s31, s19, $0xb8;
	[tilespmem:$0x18400] =	vst v63  }
0x27: {  	_ =	swait.ge [sflag:s11], $0x4000  }
0x28: {  	[sflag:s11] =	ssyncset.done $0x0  }
0x29: {  	s0 =	rddreg [dreg:$0x3];
	[sflag:s11] =	ssyncadd.s32 $0xFFFFC000  }
0x2a: {  	[hbm4b:s0+s2] =	stream.linear.scatter [tilespmem:s7], [sflag:$0x7], $0x4000, $0x38;
	[tilespmem:$0x18400] =	vst v63  }
0x2b: {  	_ =	swait.ge [sflag:s4], $0x4000  }
0x2c: {  	[sflag:s4] =	ssyncset.done $0x0  }
0x2d: {  	[sflag:s4] =	ssyncadd.s32 $0xFFFFC000  }
0x2e: {  	[tilespmem:s7], [sflag:$0x1] =	stream.indirect.gather [hbm4b:s8+s19], $0x80, s25, s19, $0xb8;
	[tilespmem:$0x18400] =	vst v63  }
0x2f: {  	_ =	swait.ge [sflag:s9], $0x4000  }
0x30: {  	[sflag:s9] =	ssyncset.done $0x0  }
0x31: {  	s0 =	rddreg [dreg:$0x4];
	[sflag:s9] =	ssyncadd.s32 $0xFFFFC000  }
0x32: {  	[hbm4b:s0+s2] =	stream.linear.scatter [tilespmem:s6], [sflag:$0x8], $0x4000, $0x38;
	[tilespmem:$0x18400] =	vst v63  }
0x33: {  	_ =	swait.ge [sflag:s5], $0x4000  }
0x34: {  	[sflag:s5] =	ssyncset.done $0x0  }
0x35: {  	[sflag:s5] =	ssyncadd.s32 $0xFFFFC000  }
0x36: {  	[tilespmem:s6], [sflag:$0x2] =	stream.indirect.gather [hbm4b:s8+s19], $0x80, s24, s19, $0xb8;
	[tilespmem:$0x18400] =	vst v63  }
0x37: {  	_ =	swait.ge [sflag:s23], $0x4000  }
0x38: {  	[sflag:s23] =	ssyncset.done $0x0  }
0x39: {  	s0 =	rddreg [dreg:$0x5];
	[sflag:s23] =	ssyncadd.s32 $0xFFFFC000  }
0x3a: {  	[hbm4b:s0+s2] =	stream.linear.scatter [tilespmem:s18], [sflag:$0x9], $0x4000, $0x38;
	[tilespmem:$0x18400] =	vst v63  }
0x3b: {  	_ =	swait.ge [sflag:s22], $0x4000  }
0x3c: {  	[sflag:s22] =	ssyncset.done $0x0  }
0x3d: {  	s0 =	rddreg [dreg:$0x6];
	[sflag:s22] =	ssyncadd.s32 $0xFFFFC000  }
0x3e: {  	[hbm4b:s0+s2] =	stream.linear.scatter [tilespmem:s17], [sflag:$0xA], $0x4000, $0x38;
	[tilespmem:$0x18400] =	vst v63  }
0x3f: {  	_ =	swait.ge [sflag:s21], $0x4000  }
0x40: {  	[sflag:s21] =	ssyncset.done $0x0  }
0x41: {  	s0 =	rddreg [dreg:$0x7];
	[sflag:s21] =	ssyncadd.s32 $0xFFFFC000  }
0x42: {  	[hbm4b:s0+s2] =	stream.linear.scatter [tilespmem:s16], [sflag:$0xB], $0x4000, $0x38;
	[tilespmem:$0x18400] =	vst v63  }
0x43: {  	_ =	swait.ge [sflag:s20], $0x4000  }
0x44: {  	[sflag:s20] =	ssyncset.done $0x0  }
0x45: {  	s0 =	rddreg [dreg:$0x8];
	[sflag:s20] =	ssyncadd.s32 $0xFFFFC000  }
0x46: {  	[hbm4b:s0+s2] =	stream.linear.scatter [tilespmem:s13], [sflag:$0xC], $0x4000, $0x38;
	[tilespmem:$0x18400] =	vst v63  }
0x47: {  	_ =	swait.ge [sflag:s11], $0x4000  }
0x48: {  	[sflag:s11] =	ssyncset.done $0x0  }
0x49: {  	s0 =	rddreg [dreg:$0x9];
	[sflag:s11] =	ssyncadd.s32 $0xFFFFC000  }
0x4a: {  	[hbm4b:s0+s2] =	stream.linear.scatter [tilespmem:s7], [sflag:$0x7], $0x4000, $0x38;
	[tilespmem:$0x18400] =	vst v63  }
0x4b: {  	_ =	swait.ge [sflag:s9], $0x4000  }
0x4c: {  	[sflag:s9] =	ssyncset.done $0x0  }
0x4d: {  	[sflag:s9] =	ssyncadd.s32 $0xFFFFC000  }
0x4e: {  	[hbm4b:s3+s2] =	stream.linear.scatter [tilespmem:s6], [sflag:$0x8], $0x4000, $0x38;
	[tilespmem:$0x18400] =	vst v63  }
0x4f: {  	_ =	swait.ge [sflag:s15], $0x4000  }
0x50: {  	[sflag:s15] =	ssyncset.done $0x0  }
0x51: {  	[sflag:s15] =	ssyncadd.s32 $0xFFFFC000  }
0x52: {  	_ =	swait.ge [sflag:s14], $0x4000  }
0x53: {  	[sflag:s14] =	ssyncset.done $0x0  }
0x54: {  	[sflag:s14] =	ssyncadd.s32 $0xFFFFC000  }
0x55: {  	_ =	swait.ge [sflag:s12], $0x4000  }
0x56: {  	[sflag:s12] =	ssyncset.done $0x0  }
0x57: {  	[sflag:s12] =	ssyncadd.s32 $0xFFFFC000  }
0x58: {  	_ =	swait.ge [sflag:s10], $0x4000  }
0x59: {  	[sflag:s10] =	ssyncset.done $0x0  }
0x5a: {  	p1 =	sne.s32 s1, $0x1;
	[sflag:s10] =	ssyncadd.s32 $0xFFFFC000  }
.Ltmp1:
0x5b: {  	_ =	swait.ge [sflag:s4], $0x4000;
	(pc) =	sbr.rel @!p1 .LBB2_3-.Ltmp1, $4  }
0x5c: {  	[sflag:s4] =	ssyncset.done $0x0  }
0x5d: {  	[sflag:s4] =	ssyncadd.s32 $0xFFFFC000  }
0x5e: {  	s1 =	sadd.s32 $0xFFFFFFFF, s1;
	_ =	swait.ge [sflag:s5], $0x4000  }
0x5f: {  	p0 =	por $0x1, $0x1;
	s0 =	rddreg [dreg:$0x2];
	[sflag:s5] =	ssyncset.done $0x0  }
.LBB2_2:
0x60: {  	[sflag:s5] =	ssyncadd.s32 $0xFFFFC000  }
0x61: {  	[tilespmem:s2], [sflag:$0xD] =	stream.linear.gather [hbm4b:s0+s2], $0x400, $0x38;
	[tilespmem:$0x18400] =	vst v63  }
0x62: {  	_ =	swait.ge [sflag:s26], $0x400  }
0x63: {  	[sflag:s26] =	ssyncset.done $0x0  }
0x64: {  	[sflag:s26] =	ssyncadd.s32 $0xFFFFFC00  }
0x65: {  	[tilespmem:s7], [sflag:$0x1] =	stream.indirect.gather [hbm4b:s8+s19], $0x80, s2, s19, $0xb8;
	[tilespmem:$0x18400] =	vst v63  }
0x66: {  	_ = 	snop  }
0x67: {  	[tilespmem:s6], [sflag:$0x2] =	stream.indirect.gather [hbm4b:s8+s19], $0x80, s19, s19, $0xb8;
	[tilespmem:$0x18400] =	vst v63  }
0x68: {  	_ = 	snop  }
0x69: {  	[tilespmem:s18], [sflag:$0x3] =	stream.indirect.gather [hbm4b:s8+s19], $0x80, s28, s19, $0xb8;
	[tilespmem:$0x18400] =	vst v63  }
0x6a: {  	_ = 	snop  }
0x6b: {  	[tilespmem:s17], [sflag:$0x4] =	stream.indirect.gather [hbm4b:s8+s19], $0x80, s29, s19, $0xb8;
	[tilespmem:$0x18400] =	vst v63  }
0x6c: {  	_ = 	snop  }
0x6d: {  	[tilespmem:s16], [sflag:$0x5] =	stream.indirect.gather [hbm4b:s8+s19], $0x80, s30, s19, $0xb8;
	[tilespmem:$0x18400] =	vst v63  }
0x6e: {  	_ = 	snop  }
0x6f: {  	[tilespmem:s13], [sflag:$0x6] =	stream.indirect.gather [hbm4b:s8+s19], $0x80, s31, s19, $0xb8;
	[tilespmem:$0x18400] =	vst v63  }
0x70: {  	_ =	swait.ge [sflag:s11], $0x4000  }
0x71: {  	[sflag:s11] =	ssyncset.done $0x0  }
0x72: {  	s0 =	rddreg [dreg:$0x3];
	[sflag:s11] =	ssyncadd.s32 $0xFFFFC000  }
0x73: {  	[hbm4b:s0+s2] =	stream.linear.scatter [tilespmem:s7], [sflag:$0x7], $0x4000, $0x38;
	[tilespmem:$0x18400] =	vst v63  }
0x74: {  	_ =	swait.ge [sflag:s4], $0x4000  }
0x75: {  	[sflag:s4] =	ssyncset.done $0x0  }
0x76: {  	[sflag:s4] =	ssyncadd.s32 $0xFFFFC000  }
0x77: {  	[tilespmem:s7], [sflag:$0x1] =	stream.indirect.gather [hbm4b:s8+s19], $0x80, s25, s19, $0xb8;
	[tilespmem:$0x18400] =	vst v63  }
0x78: {  	_ =	swait.ge [sflag:s9], $0x4000  }
0x79: {  	[sflag:s9] =	ssyncset.done $0x0  }
0x7a: {  	s0 =	rddreg [dreg:$0x4];
	[sflag:s9] =	ssyncadd.s32 $0xFFFFC000  }
0x7b: {  	[hbm4b:s0+s2] =	stream.linear.scatter [tilespmem:s6], [sflag:$0x8], $0x4000, $0x38;
	[tilespmem:$0x18400] =	vst v63  }
0x7c: {  	_ =	swait.ge [sflag:s5], $0x4000  }
0x7d: {  	[sflag:s5] =	ssyncset.done $0x0  }
0x7e: {  	[sflag:s5] =	ssyncadd.s32 $0xFFFFC000  }
0x7f: {  	[tilespmem:s6], [sflag:$0x2] =	stream.indirect.gather [hbm4b:s8+s19], $0x80, s24, s19, $0xb8;
	[tilespmem:$0x18400] =	vst v63  }
0x80: {  	_ =	swait.ge [sflag:s23], $0x4000  }
0x81: {  	[sflag:s23] =	ssyncset.done $0x0  }
0x82: {  	s0 =	rddreg [dreg:$0x5];
	[sflag:s23] =	ssyncadd.s32 $0xFFFFC000  }
0x83: {  	[hbm4b:s0+s2] =	stream.linear.scatter [tilespmem:s18], [sflag:$0x9], $0x4000, $0x38;
	[tilespmem:$0x18400] =	vst v63  }
0x84: {  	_ =	swait.ge [sflag:s22], $0x4000  }
0x85: {  	[sflag:s22] =	ssyncset.done $0x0  }
0x86: {  	s0 =	rddreg [dreg:$0x6];
	[sflag:s22] =	ssyncadd.s32 $0xFFFFC000  }
0x87: {  	[hbm4b:s0+s2] =	stream.linear.scatter [tilespmem:s17], [sflag:$0xA], $0x4000, $0x38;
	[tilespmem:$0x18400] =	vst v63  }
0x88: {  	_ =	swait.ge [sflag:s21], $0x4000  }
0x89: {  	[sflag:s21] =	ssyncset.done $0x0  }
0x8a: {  	s0 =	rddreg [dreg:$0x7];
	[sflag:s21] =	ssyncadd.s32 $0xFFFFC000  }
0x8b: {  	[hbm4b:s0+s2] =	stream.linear.scatter [tilespmem:s16], [sflag:$0xB], $0x4000, $0x38;
	[tilespmem:$0x18400] =	vst v63  }
0x8c: {  	_ =	swait.ge [sflag:s20], $0x4000  }
0x8d: {  	[sflag:s20] =	ssyncset.done $0x0  }
0x8e: {  	s0 =	rddreg [dreg:$0x8];
	[sflag:s20] =	ssyncadd.s32 $0xFFFFC000  }
0x8f: {  	[hbm4b:s0+s2] =	stream.linear.scatter [tilespmem:s13], [sflag:$0xC], $0x4000, $0x38;
	[tilespmem:$0x18400] =	vst v63  }
0x90: {  	_ =	swait.ge [sflag:s11], $0x4000  }
0x91: {  	[sflag:s11] =	ssyncset.done $0x0  }
0x92: {  	s0 =	rddreg [dreg:$0x9];
	[sflag:s11] =	ssyncadd.s32 $0xFFFFC000  }
0x93: {  	[hbm4b:s0+s2] =	stream.linear.scatter [tilespmem:s7], [sflag:$0x7], $0x4000, $0x38;
	[tilespmem:$0x18400] =	vst v63  }
0x94: {  	_ =	swait.ge [sflag:s9], $0x4000  }
0x95: {  	[sflag:s9] =	ssyncset.done $0x0  }
0x96: {  	[sflag:s9] =	ssyncadd.s32 $0xFFFFC000  }
0x97: {  	[hbm4b:s3+s2] =	stream.linear.scatter [tilespmem:s6], [sflag:$0x8], $0x4000, $0x38;
	[tilespmem:$0x18400] =	vst v63  }
0x98: {  	_ =	swait.ge [sflag:s15], $0x4000  }
0x99: {  	[sflag:s15] =	ssyncset.done $0x0  }
0x9a: {  	[sflag:s15] =	ssyncadd.s32 $0xFFFFC000  }
0x9b: {  	_ =	swait.ge [sflag:s14], $0x4000  }
0x9c: {  	[sflag:s14] =	ssyncset.done $0x0  }
0x9d: {  	[sflag:s14] =	ssyncadd.s32 $0xFFFFC000  }
0x9e: {  	_ =	swait.ge [sflag:s12], $0x4000  }
0x9f: {  	[sflag:s12] =	ssyncset.done $0x0  }
0xa0: {  	[sflag:s12] =	ssyncadd.s32 $0xFFFFC000  }
0xa1: {  	_ =	swait.ge [sflag:s10], $0x4000  }
0xa2: {  	[sflag:s10] =	ssyncset.done $0x0  }
0xa3: {  	p1 =	sne.s32 s1, $0x1;
	[sflag:s10] =	ssyncadd.s32 $0xFFFFC000  }
.Ltmp2:
0xa4: {  	_ =	swait.ge [sflag:s4], $0x4000;
	(pc) =	sbr.rel @p1 .LBB2_2-.Ltmp2, $4  }
0xa5: {  	[sflag:s4] =	ssyncset.done $0x0  }
0xa6: {  	[sflag:s4] =	ssyncadd.s32 $0xFFFFC000  }
0xa7: {  	_ =	swait.ge [sflag:s5], $0x4000  }
0xa8: {  	s1 =	sadd.s32 $0xFFFFFFFF, s1;
	s0 =	rddreg [dreg:$0x2];
	[sflag:s5] =	ssyncset.done $0x0  }
.LBB2_3:
0xa9: {  	[sflag:s5] =	ssyncadd.s32 @p0 $0xFFFFC000  }
0xaa: {  	[tilespmem:s2], [sflag:$0xD] =	stream.linear.gather [hbm4b:s0+s2], $0x400, $0x38;
	[tilespmem:$0x18400] =	vst v63  }
0xab: {  	_ =	swait.ge [sflag:s26], $0x400  }
0xac: {  	[sflag:s26] =	ssyncset.done $0x0  }
0xad: {  	[sflag:s26] =	ssyncadd.s32 $0xFFFFFC00  }
0xae: {  	[tilespmem:s7], [sflag:$0x1] =	stream.indirect.gather [hbm4b:s8+s19], $0x80, s2, s19, $0xb8;
	[tilespmem:$0x18400] =	vst v63  }
0xaf: {  	_ = 	snop  }
0xb0: {  	[tilespmem:s6], [sflag:$0x2] =	stream.indirect.gather [hbm4b:s8+s19], $0x80, s19, s19, $0xb8;
	[tilespmem:$0x18400] =	vst v63  }
0xb1: {  	_ = 	snop  }
0xb2: {  	[tilespmem:s18], [sflag:$0x3] =	stream.indirect.gather [hbm4b:s8+s19], $0x80, s28, s19, $0xb8;
	[tilespmem:$0x18400] =	vst v63  }
0xb3: {  	_ = 	snop  }
0xb4: {  	[tilespmem:s17], [sflag:$0x4] =	stream.indirect.gather [hbm4b:s8+s19], $0x80, s29, s19, $0xb8;
	[tilespmem:$0x18400] =	vst v63  }
0xb5: {  	_ = 	snop  }
0xb6: {  	[tilespmem:s16], [sflag:$0x5] =	stream.indirect.gather [hbm4b:s8+s19], $0x80, s30, s19, $0xb8;
	[tilespmem:$0x18400] =	vst v63  }
0xb7: {  	_ = 	snop  }
0xb8: {  	[tilespmem:s13], [sflag:$0x6] =	stream.indirect.gather [hbm4b:s8+s19], $0x80, s31, s19, $0xb8;
	[tilespmem:$0x18400] =	vst v63  }
0xb9: {  	_ =	swait.ge [sflag:s11], $0x4000  }
0xba: {  	[sflag:s11] =	ssyncset.done $0x0  }
0xbb: {  	s31 =	rddreg [dreg:$0x3];
	[sflag:s11] =	ssyncadd.s32 $0xFFFFC000  }
0xbc: {  	[hbm4b:s31+s2] =	stream.linear.scatter [tilespmem:s7], [sflag:$0x7], $0x4000, $0x38;
	[tilespmem:$0x18400] =	vst v63  }
0xbd: {  	_ =	swait.ge [sflag:s4], $0x4000  }
0xbe: {  	[sflag:s4] =	ssyncset.done $0x0  }
0xbf: {  	[sflag:s4] =	ssyncadd.s32 $0xFFFFC000  }
0xc0: {  	[tilespmem:s7], [sflag:$0x1] =	stream.indirect.gather [hbm4b:s8+s19], $0x80, s25, s19, $0xb8;
	[tilespmem:$0x18400] =	vst v63  }
0xc1: {  	_ =	swait.ge [sflag:s9], $0x4000  }
0xc2: {  	[sflag:s9] =	ssyncset.done $0x0  }
0xc3: {  	s1 =	rddreg [dreg:$0x4];
	[sflag:s9] =	ssyncadd.s32 $0xFFFFC000  }
0xc4: {  	[hbm4b:s1+s2] =	stream.linear.scatter [tilespmem:s6], [sflag:$0x8], $0x4000, $0x38;
	[tilespmem:$0x18400] =	vst v63  }
0xc5: {  	_ =	swait.ge [sflag:s5], $0x4000  }
0xc6: {  	[sflag:s5] =	ssyncset.done $0x0  }
0xc7: {  	[sflag:s5] =	ssyncadd.s32 $0xFFFFC000  }
0xc8: {  	[tilespmem:s6], [sflag:$0x2] =	stream.indirect.gather [hbm4b:s8+s19], $0x80, s24, s19, $0xb8;
	[tilespmem:$0x18400] =	vst v63  }
0xc9: {  	_ =	swait.ge [sflag:s23], $0x4000  }
0xca: {  	[sflag:s23] =	ssyncset.done $0x0  }
0xcb: {  	s25 =	rddreg [dreg:$0x5];
	[sflag:s23] =	ssyncadd.s32 $0xFFFFC000  }
0xcc: {  	[hbm4b:s25+s2] =	stream.linear.scatter [tilespmem:s18], [sflag:$0x9], $0x4000, $0x38;
	[tilespmem:$0x18400] =	vst v63  }
0xcd: {  	_ =	swait.ge [sflag:s22], $0x4000  }
0xce: {  	[sflag:s22] =	ssyncset.done $0x0  }
0xcf: {  	s26 =	rddreg [dreg:$0x6];
	[sflag:s22] =	ssyncadd.s32 $0xFFFFC000  }
0xd0: {  	[hbm4b:s26+s2] =	stream.linear.scatter [tilespmem:s17], [sflag:$0xA], $0x4000, $0x38;
	[tilespmem:$0x18400] =	vst v63  }
0xd1: {  	_ =	swait.ge [sflag:s21], $0x4000  }
0xd2: {  	[sflag:s21] =	ssyncset.done $0x0  }
0xd3: {  	s28 =	rddreg [dreg:$0x7];
	[sflag:s21] =	ssyncadd.s32 $0xFFFFC000  }
0xd4: {  	[hbm4b:s28+s2] =	stream.linear.scatter [tilespmem:s16], [sflag:$0xB], $0x4000, $0x38;
	[tilespmem:$0x18400] =	vst v63  }
0xd5: {  	_ =	swait.ge [sflag:s20], $0x4000  }
0xd6: {  	[sflag:s20] =	ssyncset.done $0x0  }
0xd7: {  	s29 =	rddreg [dreg:$0x8];
	[sflag:s20] =	ssyncadd.s32 $0xFFFFC000  }
0xd8: {  	[hbm4b:s29+s2] =	stream.linear.scatter [tilespmem:s13], [sflag:$0xC], $0x4000, $0x38;
	[tilespmem:$0x18400] =	vst v63  }
0xd9: {  	_ =	swait.ge [sflag:s11], $0x4000  }
0xda: {  	[sflag:s11] =	ssyncset.done $0x0  }
0xdb: {  	s30 =	rddreg [dreg:$0x9];
	[sflag:s11] =	ssyncadd.s32 $0xFFFFC000  }
0xdc: {  	[hbm4b:s30+s2] =	stream.linear.scatter [tilespmem:s7], [sflag:$0x7], $0x4000, $0x38;
	[tilespmem:$0x18400] =	vst v63  }
0xdd: {  	_ =	swait.ge [sflag:s9], $0x4000  }
0xde: {  	[sflag:s9] =	ssyncset.done $0x0  }
0xdf: {  	[sflag:s9] =	ssyncadd.s32 $0xFFFFC000  }
0xe0: {  	[hbm4b:s3+s2] =	stream.linear.scatter [tilespmem:s6], [sflag:$0x8], $0x4000, $0x38;
	[tilespmem:$0x18400] =	vst v63  }
0xe1: {  	_ =	swait.ge [sflag:s15], $0x4000  }
0xe2: {  	[sflag:s15] =	ssyncset.done $0x0  }
0xe3: {  	[sflag:s15] =	ssyncadd.s32 $0xFFFFC000  }
0xe4: {  	_ =	swait.ge [sflag:s14], $0x4000  }
0xe5: {  	[sflag:s14] =	ssyncset.done $0x0  }
0xe6: {  	[sflag:s14] =	ssyncadd.s32 $0xFFFFC000  }
0xe7: {  	_ =	swait.ge [sflag:s12], $0x4000  }
0xe8: {  	[sflag:s12] =	ssyncset.done $0x0  }
0xe9: {  	[sflag:s12] =	ssyncadd.s32 $0xFFFFC000  }
0xea: {  	_ =	swait.ge [sflag:s10], $0x4000  }
0xeb: {  	[sflag:s10] =	ssyncset.done $0x0  }
0xec: {  	[sflag:s10] =	ssyncadd.s32 $0xFFFFC000  }
0xed: {  	_ =	swait.ge [sflag:s4], $0x4000  }
0xee: {  	[sflag:s4] =	ssyncset.done $0x0  }
0xef: {  	[sflag:s4] =	ssyncadd.s32 $0xFFFFC000  }
0xf0: {  	_ =	swait.ge [sflag:s5], $0x4000  }
0xf1: {  	[sflag:s5] =	ssyncset.done $0x0  }
0xf2: {  	[sflag:s5] =	ssyncadd.s32 $0xFFFFC000  }
0xf3: {  	_ =	sfence.sel $0x180000  }
0xf4: {  	[bflag:$0x0] =	sbarrier.arrive $0xFFFF  }
0xf5: {  	_ =	strace $0x9000004A  }
0xf6: {  	s31 =	stileid.u32;
	[bflag:$0x2] =	sbarrier.arrive $0xFFFF  }
0xf7: {  	p0 =	sne.s32 s31, $0x0;
	s0 =	rddreg [dreg:$0x1]  }
0xf8: {  	s0 =	sadd.s32 @!p0 $0x100000, s0  }
0xf9: {  	[sflag:s0] =	ssyncadd.tile.s32 @!p0 $0x1;
	_ =	shalt  }
.Lfunc_end2:
_tile_overlayer_lowered:
.L_overlay_start_2:
0xfa: {  	(tag) =	ssettag $0x2  }
0xfb: {  	s0 =	rddreg [dreg:$0x0];
	s2 =	stileid.u32  }
0xfc: {  	s1 =	rddreg [dreg:$0x1];
	p0 =	sne.s32 s2, $0x0  }
0xfd: {  	s3 =	rddreg [dreg:$0x2];
	[bflag:$0x3] =	sbarrier.arrive $0xFFFF;
	s2 =	simm.s32 @!p0 $0x1C0D  }
0xfe: {  	[timem:s3], [sflag:s2] =	dma.local @!p0 [hbm:s0], s1  }
0xff: {  	s0 =	simm.s32 @!p0 $0xD  }
0x100: {  	_ =	swait.ge @!p0 [sflag:s0], s1  }
0x101: {  	s1 =	ssub.s32 @!p0 $0x0, s1;
	[sflag:s0] =	ssyncset.done @!p0 $0x0  }
0x102: {  	[sflag:s0] =	ssyncadd.s32 @!p0 s1  }
0x103: {  	[bflag:$0x3] =	sbarrier.arrive $0xFFFF  }
0x104: {  	_ =	shalt  }

// kernel: kernel.8.cloned.1.call-start
scs
__scs_entry_jumppad:
0x0: {  	(pc) =	sbr.rel $0x88, $3  }
0x1: {  	(tag) =	ssettag $0x0;
	lr =	simm.s32 $0x1  }
0x2: {  	[smem:$0x3F9F] =	sst lr;
	_ =	strace $0xD0000000  }
0x3: {  	_ = 	snop  }
0x4: {  	_ = 	snop  }
0x5: {  	_ = 	snop  }
0x6: {  	_ = 	snop  }
0x7: {  	_ = 	snop  }
__scs_overlays_trampoline_lowered:
0x8: {  	[smem:$0x3FAE] =	sst s0  }
0x9: {  	[smem:$0x3FAF] =	sst s1  }
0xa: {  	[smem:$0x3FB0] =	sst s2  }
0xb: {  	[smem:$0x3FB1] =	sst s3  }
0xc: {  	[smem:$0x3FB2] =	sst s4  }
0xd: {  	[smem:$0x3FB3] =	sst s5  }
0xe: {  	[smem:$0x3FB4] =	sst s6  }
0xf: {  	[smem:$0x3FB5] =	sst s7  }
0x10: {  	[smem:$0x3FB6] =	sst s8  }
0x11: {  	[smem:$0x3FB7] =	sst s9;
	s0 =	simm.s32 @!p0 $0x0  }
0x12: {  	s1 =	sld [smem:$0x3F9D];
	s0 =	simm.s32 @p0 $0x1  }
0x13: {  	[smem:$0x3FB8] =	sst s0;
	s0 =	simm.s32 @!p1 $0x0  }
0x14: {  	s2 =	sld [smem:$0x3F9C];
	s0 =	simm.s32 @p1 $0x1  }
0x15: {  	[smem:$0x3FB9] =	sst s0;
	s0 =	simm.s32 @!p2 $0x0  }
0x16: {  	s3 =	sld [smem:$0x3FDB];
	s0 =	simm.s32 @p2 $0x1  }
0x17: {  	s4 =	simm.s32 $0x1BF5;
	[smem:$0x3FBB] =	sst s0  }
0x18: {  	s0 =	sld [smem:$0x3F9E];
	_ =	swait.ge [sflag:s4], $0x0  }
0x19: {  	s7 =	sld [smem:$0x3F9F]  }
0x1a: {  	s8 =	sadd.s32 $0xFFFFE003, lr  }
0x1b: {  	s9 =	sadd.s32 $0xFFFFFEF7, lr;
	s5 =	simm.s32 $0xFFFFFFFF;
	p2 =	slt.u32 s8, $0xFFFFF086  }
0x1c: {  	p1 =	slt.u32 s9, $0xF7A;
	s5 =	simm.s32 @!p2 $0x0  }
0x1d: {  	s5 =	simm.s32 @p1 $0x1;
	p0 =	seq.s32 s7, s2  }
0x1e: {  	s7 =	smul.u32 @!p0 $0xF7A, s2;
	p2 =	seq.s32 @!p0 s5, $0x0  }
0x1f: {  	s9 =	smul.u32 $0xF7A, s1;
	s8 =	simm.s32 @!p0 $0x1BF5;
	p2 =	por !p2, p0  }
0x20: {  	[sflag:s8] =	ssyncset.s32 @!p0 $0xFFFFF086;
	s6 =	sadd.s32 @!p0 s3, s7;
	s7 =	simm.s32 @!p0 $0x108  }
0x21: {  	s3 =	sadd.s32 s3, s9;
	s6 =	sadd.s32 @!p0 $0x88, s6;
	s7 =	simm.s32 @p2 $0x1082  }
0x22: {  	[simem:s7], [sflag:s8] =	dma.local @!p0 [hbm:s6], $0xF7A  }
0x23: {  	s9 =	sor.u32 $0xD0000000, s2;
	s6 =	simm.s32 $0x108;
	_ =	swait.ge @!p0 [sflag:s8], $0x0  }
0x24: {  	s3 =	sadd.s32 $0x88, s3;
	s6 =	simm.s32 @!p1 $0x1082;
	[sflag:s4] =	ssyncset.s32 $0xFFFFF086  }
0x25: {  	[simem:s6], [sflag:s4] =	dma.local [hbm:s3], $0xF7A  }
0x26: {  	[smem:$0x3F9F] =	sst s1;
	(tag) =	ssettag s2;
	_ =	strace s9  }
0x27: {  	s1 =	sld [smem:$0x3FAF]  }
0x28: {  	s2 =	sld [smem:$0x3FB0]  }
0x29: {  	s4 =	sld [smem:$0x3FB2]  }
0x2a: {  	p0 =	seq.s32 s5, $0x0;
	s5 =	sld [smem:$0x3FB3]  }
0x2b: {  	s6 =	sld [smem:$0x3FB4]  }
0x2c: {  	s7 =	sld [smem:$0x3FB5]  }
0x2d: {  	s3 =	simm.s32 $0x108;
	s8 =	sld [smem:$0x3FB6]  }
0x2e: {  	s3 =	simm.s32 @!p0 $0x1082;
	s9 =	sld [smem:$0x3FB7]  }
0x2f: {  	lr =	sadd.s32 s0, s3;
	s0 =	sld [smem:$0x3FAE]  }
0x30: {  	s3 =	sld [smem:$0x3FB1]  }
0x31: {  	[smem:$0x3FBA] =	sst s10  }
0x32: {  	s10 =	sld [smem:$0x3FB8];
	_ =	sdelay $0x3  }
0x33: {  	p0 =	seq.s32 s10, $0x1;
	s10 =	sld [smem:$0x3FBA];
	_ =	sdelay $0x3  }
0x34: {  	[smem:$0x3FBA] =	sst s10  }
0x35: {  	s10 =	sld [smem:$0x3FB9];
	_ =	sdelay $0x3  }
0x36: {  	p1 =	seq.s32 s10, $0x1;
	s10 =	sld [smem:$0x3FBA];
	_ =	sdelay $0x3  }
0x37: {  	[smem:$0x3FBA] =	sst s10  }
0x38: {  	s10 =	sld [smem:$0x3FBB]  }
0x39: {  	_ = 	snop;
	(pc) =	sbr.ind lr, $3  }
0x3a: {  	_ = 	snop  }
0x3b: {  	_ = 	snop  }
0x3c: {  	p2 =	seq.s32 s10, $0x1;
	s10 =	sld [smem:$0x3FBA]  }
0x3d: {  	_ =	shalt  }
0x3e: {  	_ =	shalt  }
0x3f: {  	_ =	shalt  }
0x40: {  	_ =	shalt  }
0x41: {  	_ =	shalt  }
0x42: {  	_ =	shalt  }
0x43: {  	_ =	shalt  }
0x44: {  	_ =	shalt  }
0x45: {  	_ =	shalt  }
0x46: {  	_ =	shalt  }
0x47: {  	_ =	shalt  }
0x48: {  	_ =	shalt  }
0x49: {  	_ =	shalt  }
0x4a: {  	_ =	shalt  }
0x4b: {  	_ =	shalt  }
0x4c: {  	_ =	shalt  }
0x4d: {  	_ =	shalt  }
0x4e: {  	_ =	shalt  }
0x4f: {  	_ =	shalt  }
0x50: {  	_ =	shalt  }
0x51: {  	_ =	shalt  }
0x52: {  	_ =	shalt  }
0x53: {  	_ =	shalt  }
0x54: {  	_ =	shalt  }
0x55: {  	_ =	shalt  }
0x56: {  	_ =	shalt  }
0x57: {  	_ =	shalt  }
0x58: {  	_ =	shalt  }
0x59: {  	_ =	shalt  }
0x5a: {  	_ =	shalt  }
0x5b: {  	_ =	shalt  }
0x5c: {  	_ =	shalt  }
0x5d: {  	_ =	shalt  }
0x5e: {  	_ =	shalt  }
0x5f: {  	_ =	shalt  }
0x60: {  	_ =	shalt  }
0x61: {  	_ =	shalt  }
0x62: {  	_ =	shalt  }
0x63: {  	_ =	shalt  }
0x64: {  	_ =	shalt  }
0x65: {  	_ =	shalt  }
0x66: {  	_ =	shalt  }
0x67: {  	_ =	shalt  }
0x68: {  	_ =	shalt  }
0x69: {  	_ =	shalt  }
0x6a: {  	_ =	shalt  }
0x6b: {  	_ =	shalt  }
0x6c: {  	_ =	shalt  }
0x6d: {  	_ =	shalt  }
0x6e: {  	_ =	shalt  }
0x6f: {  	_ =	shalt  }
0x70: {  	_ =	shalt  }
0x71: {  	_ =	shalt  }
0x72: {  	_ =	shalt  }
0x73: {  	_ =	shalt  }
0x74: {  	_ =	shalt  }
0x75: {  	_ =	shalt  }
0x76: {  	_ =	shalt  }
0x77: {  	_ =	shalt  }
0x78: {  	_ =	shalt  }
0x79: {  	_ =	shalt  }
0x7a: {  	_ =	shalt  }
0x7b: {  	_ =	shalt  }
0x7c: {  	_ =	shalt  }
0x7d: {  	_ =	shalt  }
0x7e: {  	_ =	shalt  }
0x7f: {  	_ =	shalt  }
0x80: {  	_ =	shalt  }
0x81: {  	_ =	shalt  }
0x82: {  	_ =	shalt  }
0x83: {  	_ =	shalt  }
0x84: {  	_ =	shalt  }
0x85: {  	_ =	shalt  }
0x86: {  	_ =	shalt  }
0x87: {  	_ =	shalt  }
.Lfunc_end0:
.L_simem_size_0:
called_computation_lowered:
.L_overlay_start_0:
0x88: {  	s2 =	sld [smem:$0x3FD9]  }
0x89: {  	s3 =	sld [smem:$0x3FFE];
	_ =	sdelay $0x1  }
0x8a: {  	s1 =	srdreg.scid  }
0x8b: {  	s0 =	sand.u32 $0x1, s1  }
0x8c: {  	s16 =	sshll.u32 s0, $0xA;
	s2 =	sadd.s32 s3, s2  }
0x8d: {  	s2 =	sadd.s32 s2, s16  }
0x8e: {  	[smem:$0x3FC6] =	sst s2  }
0x8f: {  	_ = 	snop  }
0x90: {  	(tm) =	ssettm $0x1  }
0x91: {  	s17 =	sld [smem:$0x3FFB];
	_ =	sdelay $0x3  }
0x92: {  	_ =	strace s17  }
0x93: {  	s2 =	sld [smem:$0x3FFC];
	_ =	sdelay $0x3  }
0x94: {  	_ =	strace s2  }
0x95: {  	s2 =	sld [smem:$0x3FFD];
	_ =	sdelay $0x3  }
0x96: {  	_ =	strace s2  }
0x97: {  	_ =	strace $0x8FFFFFFF  }
0x98: {  	s18 =	sld [smem:$0x3FDB];
	_ =	sdelay $0x1  }
0x99: {  	s19 =	simm.s32 $_scs_section_size  }
0x9a: {  	s4 =	simm.s32 $_size__tile_overlayer_lowered;
	s5 =	simm.s32 $_tile_overlayer_lowered  }
0x9b: {  	s22 =	simm.s32 $0x1BFF;
	s21 =	sshll.u32 s5, $0x1;
	s2 =	sadd.s32 s19, s18  }
0x9c: {  	s6 =	simm.s32 $0x0;
	s20 =	sshll.u32 s4, $0x1;
	s4 =	sadd.s32 s21, s2  }
0x9d: {  	[timem:s6], [sflag:s22] =	dma.local [hbm:s4], s20  }
0x9e: {  	_ =	swait.ge [sflag:s22], s20  }
0x9f: {  	s3 =	ssub.s32 $0x0, s20;
	[sflag:s22] =	ssyncset.done $0x0  }
0xa0: {  	[sflag:s22] =	ssyncadd.s32 s3;
	_ =	sdelay $0x1  }
0xa1: {  	s23 =	simm.s32 $0x1B8B  }
0xa2: {  	_ =	swait.ge [sflag:s23], $0x1  }
0xa3: {  	[sflag:s23] =	ssyncset.done $0x0  }
0xa4: {  	s25 =	simm.s32 $0x1B8E;
	s24 =	sld [smem:$0x3FFE];
	[sflag:s23] =	ssyncadd.s32 $0xFFFFFFFF  }
0xa5: {  	s26 =	simm.s32 $execute0_lowered;
	[smem:$0x3FD2] =	sst s25  }
0xa6: {  	s4 =	sshll.u32 s26, $0x1;
	_ =	strace $0x80000046;
	[dreg:$0x1] =	wrdreg $0xFFFFFFFF  }
0xa7: {  	s28 =	simm.s32 $_size_execute0_lowered;
	s2 =	sadd.s32 s2, s4;
	[dreg:$0x0] =	wrdreg $0x0  }
0xa8: {  	s4 =	sshll.u32 s28, $0x1;
	[dreg:$0x2] =	wrdreg s2  }
0xa9: {  	[dreg:$0x3] =	wrdreg s4  }
0xaa: {  	[dreg:$0x4] =	wrdreg $0xC0  }
0xab: {  	_ =	task [dreg:s6], $0x5FFFF  }
0xac: {  	[dreg:$0x1] =	wrdreg $0xFFFFFFFF  }
0xad: {  	[dreg:$0x0] =	wrdreg $0x60  }
0xae: {  	[dreg:$0x2] =	wrdreg s24  }
0xaf: {  	[dreg:$0x3] =	wrdreg $0x9  }
0xb0: {  	_ =	task.clear_ibuf [dreg:s6], $0x4FFFF;
	_ =	strace $0x90000046  }
0xb1: {  	s29 =	simm.s32 $0x9;
	_ =	strace $0x80000048  }
0xb2: {  	_ =	swait.ge [sflag:s29], $0x1  }
0xb3: {  	[sflag:s29] =	ssyncadd.s32 $0xFFFFFFFF  }
0xb4: {  	_ =	strace $0x90000048  }
0xb5: {  	_ =	sfence  }
0xb6: {  	s30 =	sld [smem:$0x0];
	_ =	sdelay $0x2  }
0xb7: {  	s31 =	sshll.u32 s1, $0xD;
	s1 =	sshrl.u32 s1, $0x2  }
0xb8: {  	s3 =	sand.u32 $0x4000, s31;
	s1 =	sadd.s32 s1, s30  }
0xb9: {  	s0 =	sor.u32 s3, s0;
	s1 =	sshll.u32 s1, $0x11  }
0xba: {  	s0 =	sor.u32 s1, s0  }
0xbb: {  	s0 =	sadd.s32 $0x8F2B, s0  }
0xbc: {  	[sflag:s0] =	ssyncadd.remote.s32 $0x1  }
0xbd: {  	_ =	sfence.sel $0xFFFF  }
0xbe: {  	[dreg:$0x0] =	wrdreg $0xFFFFFFFF;
	(pc) =	sbr.abs _section_cstart, $3  }
0xbf: {  	[dreg:$0x1] =	wrdreg $0xFFFFFFFF  }
0xc0: {  	_ =	task.clear_ibuf [dreg:s6], $0x2FFFF;
	_ =	strace $0x9FFFFFFF  }
0xc1: {  	(tm) =	ssettm $0x7FFFFFFF  }
tec
execute0_lowered:
.L_overlay_start_1:
0x0: {  	(tag) =	ssettag $0x1  }
0x1: {  	s0 =	srdreg.scid  }
0x2: {  	s1 =	stileid.u32;
	s3 =	rddreg [dreg:$0x0];
	s7 =	simm.s32 $0x400  }
0x3: {  	s6 =	simm.s32 $0x4400;
	s28 =	simm.s32 $0x100;
	s18 =	simm.s32 $0x8400  }
0x4: {  	s29 =	simm.s32 $0x180;
	s17 =	simm.s32 $0xC400;
	s30 =	simm.s32 $0x200  }
0x5: {  	s16 =	simm.s32 $0x10400;
	s31 =	simm.s32 $0x280;
	s13 =	simm.s32 $0x14400  }
0x6: {  	s11 =	simm.s32 $0x1;
	s9 =	simm.s32 $0x2;
	s5 =	simm.s32 $0x8  }
0x7: {  	p0 =	por $0x0, $0x0;
	s15 =	simm.s32 $0x9;
	s0 =	sand.u32 $0x1, s0  }
0x8: {  	s14 =	simm.s32 $0xA;
	s1 =	sshll.u32 s1, $0xB;
	s2 =	sshll.u32 s0, $0xA  }
0x9: {  	s12 =	simm.s32 $0xB;
	s10 =	simm.s32 $0xC;
	s1 =	sor.u32 s2, s1  }
0xa: {  	s8 =	sadd.s32 $0x81C00, s3;
	s0 =	ssub.s32 $0x2, s0;
	s4 =	sshrl.u32 s1, $0x3  }
0xb: {  	s2 =	simm.s32 $0x0;
	s1 =	sshll.u32 s1, $0x4;
	s4 =	sadd.s32 s4, s3  }
0xc: {  	[smem:$0x7FF] =	sst s2;
	s1 =	sadd.s32 s1, s3;
	s4 =	sadd.s32 $0x85C00, s4  }
0xd: {  	_ =	strace $0x80000047;
	s19 =	sadd.s32 $0x86C00, s1;
	[dreg:$0x2] =	wrdreg s4  }
0xe: {  	s24 =	sshrl.u32 s0, $0x1;
	s20 =	sadd.s32 $0x87400, s1;
	[dreg:$0x3] =	wrdreg s19  }
0xf: {  	s0 =	ssub.s32 s0, s24;
	s21 =	sadd.s32 $0x87C00, s1;
	[dreg:$0x4] =	wrdreg s20  }
0x10: {  	s24 =	simm.s32 $0x380;
	s22 =	sadd.s32 $0x88400, s1;
	[dreg:$0x5] =	wrdreg s21  }
0x11: {  	s0 =	smax.u32 s0, $0x1;
	s23 =	sadd.s32 $0x88C00, s1;
	[dreg:$0x6] =	wrdreg s22  }
0x12: {  	s25 =	sadd.s32 $0x89400, s1;
	p1 =	sne.s32 s0, $0x1;
	[dreg:$0x7] =	wrdreg s23  }
.Ltmp0:
0x13: {  	s26 =	sadd.s32 $0x89C00, s1;
	[dreg:$0x8] =	wrdreg s25;
	(pc) =	sbr.rel @!p1 .LBB2_3-.Ltmp0, $4  }
0x14: {  	s3 =	sadd.s32 $0x8A400, s1;
	s1 =	sadd.s32 $0xFFFFFFFF, s0;
	[dreg:$0x9] =	wrdreg s26  }
0x15: {  	s26 =	simm.s32 $0xD;
	s19 =	simm.s32 $0x80;
	s4 =	simm.s32 $0x7  }
0x16: {  	s25 =	simm.s32 $0x300;
	s23 =	simm.s32 $0x3;
	s22 =	simm.s32 $0x4  }
0x17: {  	s21 =	simm.s32 $0x5;
	s20 =	simm.s32 $0x6;
	s0 =	rddreg [dreg:$0x2]  }
0x18: {  	[tilespmem:s2], [sflag:$0xD] =	stream.linear.gather [hbm4b:s0+s2], $0x400, $0x38;
	[tilespmem:$0x18400] =	vst v63  }
0x19: {  	_ =	swait.ge [sflag:s26], $0x400  }
0x1a: {  	[sflag:s26] =	ssyncset.done $0x0  }
0x1b: {  	[sflag:s26] =	ssyncadd.s32 $0xFFFFFC00  }
0x1c: {  	[tilespmem:s7], [sflag:$0x1] =	stream.indirect.gather [hbm4b:s8+s19], $0x80, s2, s19, $0xb8;
	[tilespmem:$0x18400] =	vst v63  }
0x1d: {  	_ = 	snop  }
0x1e: {  	[tilespmem:s6], [sflag:$0x2] =	stream.indirect.gather [hbm4b:s8+s19], $0x80, s19, s19, $0xb8;
	[tilespmem:$0x18400] =	vst v63  }
0x1f: {  	_ = 	snop  }
0x20: {  	[tilespmem:s18], [sflag:$0x3] =	stream.indirect.gather [hbm4b:s8+s19], $0x80, s28, s19, $0xb8;
	[tilespmem:$0x18400] =	vst v63  }
0x21: {  	_ = 	snop  }
0x22: {  	[tilespmem:s17], [sflag:$0x4] =	stream.indirect.gather [hbm4b:s8+s19], $0x80, s29, s19, $0xb8;
	[tilespmem:$0x18400] =	vst v63  }
0x23: {  	_ = 	snop  }
0x24: {  	[tilespmem:s16], [sflag:$0x5] =	stream.indirect.gather [hbm4b:s8+s19], $0x80, s30, s19, $0xb8;
	[tilespmem:$0x18400] =	vst v63  }
0x25: {  	_ = 	snop  }
0x26: {  	[tilespmem:s13], [sflag:$0x6] =	stream.indirect.gather [hbm4b:s8+s19], $0x80, s31, s19, $0xb8;
	[tilespmem:$0x18400] =	vst v63  }
0x27: {  	_ =	swait.ge [sflag:s11], $0x4000  }
0x28: {  	[sflag:s11] =	ssyncset.done $0x0  }
0x29: {  	s0 =	rddreg [dreg:$0x3];
	[sflag:s11] =	ssyncadd.s32 $0xFFFFC000  }
0x2a: {  	[hbm4b:s0+s2] =	stream.linear.scatter [tilespmem:s7], [sflag:$0x7], $0x4000, $0x38;
	[tilespmem:$0x18400] =	vst v63  }
0x2b: {  	_ =	swait.ge [sflag:s4], $0x4000  }
0x2c: {  	[sflag:s4] =	ssyncset.done $0x0  }
0x2d: {  	[sflag:s4] =	ssyncadd.s32 $0xFFFFC000  }
0x2e: {  	[tilespmem:s7], [sflag:$0x1] =	stream.indirect.gather [hbm4b:s8+s19], $0x80, s25, s19, $0xb8;
	[tilespmem:$0x18400] =	vst v63  }
0x2f: {  	_ =	swait.ge [sflag:s9], $0x4000  }
0x30: {  	[sflag:s9] =	ssyncset.done $0x0  }
0x31: {  	s0 =	rddreg [dreg:$0x4];
	[sflag:s9] =	ssyncadd.s32 $0xFFFFC000  }
0x32: {  	[hbm4b:s0+s2] =	stream.linear.scatter [tilespmem:s6], [sflag:$0x8], $0x4000, $0x38;
	[tilespmem:$0x18400] =	vst v63  }
0x33: {  	_ =	swait.ge [sflag:s5], $0x4000  }
0x34: {  	[sflag:s5] =	ssyncset.done $0x0  }
0x35: {  	[sflag:s5] =	ssyncadd.s32 $0xFFFFC000  }
0x36: {  	[tilespmem:s6], [sflag:$0x2] =	stream.indirect.gather [hbm4b:s8+s19], $0x80, s24, s19, $0xb8;
	[tilespmem:$0x18400] =	vst v63  }
0x37: {  	_ =	swait.ge [sflag:s23], $0x4000  }
0x38: {  	[sflag:s23] =	ssyncset.done $0x0  }
0x39: {  	s0 =	rddreg [dreg:$0x5];
	[sflag:s23] =	ssyncadd.s32 $0xFFFFC000  }
0x3a: {  	[hbm4b:s0+s2] =	stream.linear.scatter [tilespmem:s18], [sflag:$0x9], $0x4000, $0x38;
	[tilespmem:$0x18400] =	vst v63  }
0x3b: {  	_ =	swait.ge [sflag:s22], $0x4000  }
0x3c: {  	[sflag:s22] =	ssyncset.done $0x0  }
0x3d: {  	s0 =	rddreg [dreg:$0x6];
	[sflag:s22] =	ssyncadd.s32 $0xFFFFC000  }
0x3e: {  	[hbm4b:s0+s2] =	stream.linear.scatter [tilespmem:s17], [sflag:$0xA], $0x4000, $0x38;
	[tilespmem:$0x18400] =	vst v63  }
0x3f: {  	_ =	swait.ge [sflag:s21], $0x4000  }
0x40: {  	[sflag:s21] =	ssyncset.done $0x0  }
0x41: {  	s0 =	rddreg [dreg:$0x7];
	[sflag:s21] =	ssyncadd.s32 $0xFFFFC000  }
0x42: {  	[hbm4b:s0+s2] =	stream.linear.scatter [tilespmem:s16], [sflag:$0xB], $0x4000, $0x38;
	[tilespmem:$0x18400] =	vst v63  }
0x43: {  	_ =	swait.ge [sflag:s20], $0x4000  }
0x44: {  	[sflag:s20] =	ssyncset.done $0x0  }
0x45: {  	s0 =	rddreg [dreg:$0x8];
	[sflag:s20] =	ssyncadd.s32 $0xFFFFC000  }
0x46: {  	[hbm4b:s0+s2] =	stream.linear.scatter [tilespmem:s13], [sflag:$0xC], $0x4000, $0x38;
	[tilespmem:$0x18400] =	vst v63  }
0x47: {  	_ =	swait.ge [sflag:s11], $0x4000  }
0x48: {  	[sflag:s11] =	ssyncset.done $0x0  }
0x49: {  	s0 =	rddreg [dreg:$0x9];
	[sflag:s11] =	ssyncadd.s32 $0xFFFFC000  }
0x4a: {  	[hbm4b:s0+s2] =	stream.linear.scatter [tilespmem:s7], [sflag:$0x7], $0x4000, $0x38;
	[tilespmem:$0x18400] =	vst v63  }
0x4b: {  	_ =	swait.ge [sflag:s9], $0x4000  }
0x4c: {  	[sflag:s9] =	ssyncset.done $0x0  }
0x4d: {  	[sflag:s9] =	ssyncadd.s32 $0xFFFFC000  }
0x4e: {  	[hbm4b:s3+s2] =	stream.linear.scatter [tilespmem:s6], [sflag:$0x8], $0x4000, $0x38;
	[tilespmem:$0x18400] =	vst v63  }
0x4f: {  	_ =	swait.ge [sflag:s15], $0x4000  }
0x50: {  	[sflag:s15] =	ssyncset.done $0x0  }
0x51: {  	[sflag:s15] =	ssyncadd.s32 $0xFFFFC000  }
0x52: {  	_ =	swait.ge [sflag:s14], $0x4000  }
0x53: {  	[sflag:s14] =	ssyncset.done $0x0  }
0x54: {  	[sflag:s14] =	ssyncadd.s32 $0xFFFFC000  }
0x55: {  	_ =	swait.ge [sflag:s12], $0x4000  }
0x56: {  	[sflag:s12] =	ssyncset.done $0x0  }
0x57: {  	[sflag:s12] =	ssyncadd.s32 $0xFFFFC000  }
0x58: {  	_ =	swait.ge [sflag:s10], $0x4000  }
0x59: {  	[sflag:s10] =	ssyncset.done $0x0  }
0x5a: {  	p1 =	sne.s32 s1, $0x1;
	[sflag:s10] =	ssyncadd.s32 $0xFFFFC000  }
.Ltmp1:
0x5b: {  	_ =	swait.ge [sflag:s4], $0x4000;
	(pc) =	sbr.rel @!p1 .LBB2_3-.Ltmp1, $4  }
0x5c: {  	[sflag:s4] =	ssyncset.done $0x0  }
0x5d: {  	[sflag:s4] =	ssyncadd.s32 $0xFFFFC000  }
0x5e: {  	s1 =	sadd.s32 $0xFFFFFFFF, s1;
	_ =	swait.ge [sflag:s5], $0x4000  }
0x5f: {  	p0 =	por $0x1, $0x1;
	s0 =	rddreg [dreg:$0x2];
	[sflag:s5] =	ssyncset.done $0x0  }
.LBB2_2:
0x60: {  	[sflag:s5] =	ssyncadd.s32 $0xFFFFC000  }
0x61: {  	[tilespmem:s2], [sflag:$0xD] =	stream.linear.gather [hbm4b:s0+s2], $0x400, $0x38;
	[tilespmem:$0x18400] =	vst v63  }
0x62: {  	_ =	swait.ge [sflag:s26], $0x400  }
0x63: {  	[sflag:s26] =	ssyncset.done $0x0  }
0x64: {  	[sflag:s26] =	ssyncadd.s32 $0xFFFFFC00  }
0x65: {  	[tilespmem:s7], [sflag:$0x1] =	stream.indirect.gather [hbm4b:s8+s19], $0x80, s2, s19, $0xb8;
	[tilespmem:$0x18400] =	vst v63  }
0x66: {  	_ = 	snop  }
0x67: {  	[tilespmem:s6], [sflag:$0x2] =	stream.indirect.gather [hbm4b:s8+s19], $0x80, s19, s19, $0xb8;
	[tilespmem:$0x18400] =	vst v63  }
0x68: {  	_ = 	snop  }
0x69: {  	[tilespmem:s18], [sflag:$0x3] =	stream.indirect.gather [hbm4b:s8+s19], $0x80, s28, s19, $0xb8;
	[tilespmem:$0x18400] =	vst v63  }
0x6a: {  	_ = 	snop  }
0x6b: {  	[tilespmem:s17], [sflag:$0x4] =	stream.indirect.gather [hbm4b:s8+s19], $0x80, s29, s19, $0xb8;
	[tilespmem:$0x18400] =	vst v63  }
0x6c: {  	_ = 	snop  }
0x6d: {  	[tilespmem:s16], [sflag:$0x5] =	stream.indirect.gather [hbm4b:s8+s19], $0x80, s30, s19, $0xb8;
	[tilespmem:$0x18400] =	vst v63  }
0x6e: {  	_ = 	snop  }
0x6f: {  	[tilespmem:s13], [sflag:$0x6] =	stream.indirect.gather [hbm4b:s8+s19], $0x80, s31, s19, $0xb8;
	[tilespmem:$0x18400] =	vst v63  }
0x70: {  	_ =	swait.ge [sflag:s11], $0x4000  }
0x71: {  	[sflag:s11] =	ssyncset.done $0x0  }
0x72: {  	s0 =	rddreg [dreg:$0x3];
	[sflag:s11] =	ssyncadd.s32 $0xFFFFC000  }
0x73: {  	[hbm4b:s0+s2] =	stream.linear.scatter [tilespmem:s7], [sflag:$0x7], $0x4000, $0x38;
	[tilespmem:$0x18400] =	vst v63  }
0x74: {  	_ =	swait.ge [sflag:s4], $0x4000  }
0x75: {  	[sflag:s4] =	ssyncset.done $0x0  }
0x76: {  	[sflag:s4] =	ssyncadd.s32 $0xFFFFC000  }
0x77: {  	[tilespmem:s7], [sflag:$0x1] =	stream.indirect.gather [hbm4b:s8+s19], $0x80, s25, s19, $0xb8;
	[tilespmem:$0x18400] =	vst v63  }
0x78: {  	_ =	swait.ge [sflag:s9], $0x4000  }
0x79: {  	[sflag:s9] =	ssyncset.done $0x0  }
0x7a: {  	s0 =	rddreg [dreg:$0x4];
	[sflag:s9] =	ssyncadd.s32 $0xFFFFC000  }
0x7b: {  	[hbm4b:s0+s2] =	stream.linear.scatter [tilespmem:s6], [sflag:$0x8], $0x4000, $0x38;
	[tilespmem:$0x18400] =	vst v63  }
0x7c: {  	_ =	swait.ge [sflag:s5], $0x4000  }
0x7d: {  	[sflag:s5] =	ssyncset.done $0x0  }
0x7e: {  	[sflag:s5] =	ssyncadd.s32 $0xFFFFC000  }
0x7f: {  	[tilespmem:s6], [sflag:$0x2] =	stream.indirect.gather [hbm4b:s8+s19], $0x80, s24, s19, $0xb8;
	[tilespmem:$0x18400] =	vst v63  }
0x80: {  	_ =	swait.ge [sflag:s23], $0x4000  }
0x81: {  	[sflag:s23] =	ssyncset.done $0x0  }
0x82: {  	s0 =	rddreg [dreg:$0x5];
	[sflag:s23] =	ssyncadd.s32 $0xFFFFC000  }
0x83: {  	[hbm4b:s0+s2] =	stream.linear.scatter [tilespmem:s18], [sflag:$0x9], $0x4000, $0x38;
	[tilespmem:$0x18400] =	vst v63  }
0x84: {  	_ =	swait.ge [sflag:s22], $0x4000  }
0x85: {  	[sflag:s22] =	ssyncset.done $0x0  }
0x86: {  	s0 =	rddreg [dreg:$0x6];
	[sflag:s22] =	ssyncadd.s32 $0xFFFFC000  }
0x87: {  	[hbm4b:s0+s2] =	stream.linear.scatter [tilespmem:s17], [sflag:$0xA], $0x4000, $0x38;
	[tilespmem:$0x18400] =	vst v63  }
0x88: {  	_ =	swait.ge [sflag:s21], $0x4000  }
0x89: {  	[sflag:s21] =	ssyncset.done $0x0  }
0x8a: {  	s0 =	rddreg [dreg:$0x7];
	[sflag:s21] =	ssyncadd.s32 $0xFFFFC000  }
0x8b: {  	[hbm4b:s0+s2] =	stream.linear.scatter [tilespmem:s16], [sflag:$0xB], $0x4000, $0x38;
	[tilespmem:$0x18400] =	vst v63  }
0x8c: {  	_ =	swait.ge [sflag:s20], $0x4000  }
0x8d: {  	[sflag:s20] =	ssyncset.done $0x0  }
0x8e: {  	s0 =	rddreg [dreg:$0x8];
	[sflag:s20] =	ssyncadd.s32 $0xFFFFC000  }
0x8f: {  	[hbm4b:s0+s2] =	stream.linear.scatter [tilespmem:s13], [sflag:$0xC], $0x4000, $0x38;
	[tilespmem:$0x18400] =	vst v63  }
0x90: {  	_ =	swait.ge [sflag:s11], $0x4000  }
0x91: {  	[sflag:s11] =	ssyncset.done $0x0  }
0x92: {  	s0 =	rddreg [dreg:$0x9];
	[sflag:s11] =	ssyncadd.s32 $0xFFFFC000  }
0x93: {  	[hbm4b:s0+s2] =	stream.linear.scatter [tilespmem:s7], [sflag:$0x7], $0x4000, $0x38;
	[tilespmem:$0x18400] =	vst v63  }
0x94: {  	_ =	swait.ge [sflag:s9], $0x4000  }
0x95: {  	[sflag:s9] =	ssyncset.done $0x0  }
0x96: {  	[sflag:s9] =	ssyncadd.s32 $0xFFFFC000  }
0x97: {  	[hbm4b:s3+s2] =	stream.linear.scatter [tilespmem:s6], [sflag:$0x8], $0x4000, $0x38;
	[tilespmem:$0x18400] =	vst v63  }
0x98: {  	_ =	swait.ge [sflag:s15], $0x4000  }
0x99: {  	[sflag:s15] =	ssyncset.done $0x0  }
0x9a: {  	[sflag:s15] =	ssyncadd.s32 $0xFFFFC000  }
0x9b: {  	_ =	swait.ge [sflag:s14], $0x4000  }
0x9c: {  	[sflag:s14] =	ssyncset.done $0x0  }
0x9d: {  	[sflag:s14] =	ssyncadd.s32 $0xFFFFC000  }
0x9e: {  	_ =	swait.ge [sflag:s12], $0x4000  }
0x9f: {  	[sflag:s12] =	ssyncset.done $0x0  }
0xa0: {  	[sflag:s12] =	ssyncadd.s32 $0xFFFFC000  }
0xa1: {  	_ =	swait.ge [sflag:s10], $0x4000  }
0xa2: {  	[sflag:s10] =	ssyncset.done $0x0  }
0xa3: {  	p1 =	sne.s32 s1, $0x1;
	[sflag:s10] =	ssyncadd.s32 $0xFFFFC000  }
.Ltmp2:
0xa4: {  	_ =	swait.ge [sflag:s4], $0x4000;
	(pc) =	sbr.rel @p1 .LBB2_2-.Ltmp2, $4  }
0xa5: {  	[sflag:s4] =	ssyncset.done $0x0  }
0xa6: {  	[sflag:s4] =	ssyncadd.s32 $0xFFFFC000  }
0xa7: {  	_ =	swait.ge [sflag:s5], $0x4000  }
0xa8: {  	s1 =	sadd.s32 $0xFFFFFFFF, s1;
	s0 =	rddreg [dreg:$0x2];
	[sflag:s5] =	ssyncset.done $0x0  }
.LBB2_3:
0xa9: {  	[sflag:s5] =	ssyncadd.s32 @p0 $0xFFFFC000  }
0xaa: {  	[tilespmem:s2], [sflag:$0xD] =	stream.linear.gather [hbm4b:s0+s2], $0x400, $0x38;
	[tilespmem:$0x18400] =	vst v63  }
0xab: {  	_ =	swait.ge [sflag:s26], $0x400  }
0xac: {  	[sflag:s26] =	ssyncset.done $0x0  }
0xad: {  	[sflag:s26] =	ssyncadd.s32 $0xFFFFFC00  }
0xae: {  	[tilespmem:s7], [sflag:$0x1] =	stream.indirect.gather [hbm4b:s8+s19], $0x80, s2, s19, $0xb8;
	[tilespmem:$0x18400] =	vst v63  }
0xaf: {  	_ = 	snop  }
0xb0: {  	[tilespmem:s6], [sflag:$0x2] =	stream.indirect.gather [hbm4b:s8+s19], $0x80, s19, s19, $0xb8;
	[tilespmem:$0x18400] =	vst v63  }
0xb1: {  	_ = 	snop  }
0xb2: {  	[tilespmem:s18], [sflag:$0x3] =	stream.indirect.gather [hbm4b:s8+s19], $0x80, s28, s19, $0xb8;
	[tilespmem:$0x18400] =	vst v63  }
0xb3: {  	_ = 	snop  }
0xb4: {  	[tilespmem:s17], [sflag:$0x4] =	stream.indirect.gather [hbm4b:s8+s19], $0x80, s29, s19, $0xb8;
	[tilespmem:$0x18400] =	vst v63  }
0xb5: {  	_ = 	snop  }
0xb6: {  	[tilespmem:s16], [sflag:$0x5] =	stream.indirect.gather [hbm4b:s8+s19], $0x80, s30, s19, $0xb8;
	[tilespmem:$0x18400] =	vst v63  }
0xb7: {  	_ = 	snop  }
0xb8: {  	[tilespmem:s13], [sflag:$0x6] =	stream.indirect.gather [hbm4b:s8+s19], $0x80, s31, s19, $0xb8;
	[tilespmem:$0x18400] =	vst v63  }
0xb9: {  	_ =	swait.ge [sflag:s11], $0x4000  }
0xba: {  	[sflag:s11] =	ssyncset.done $0x0  }
0xbb: {  	s31 =	rddreg [dreg:$0x3];
	[sflag:s11] =	ssyncadd.s32 $0xFFFFC000  }
0xbc: {  	[hbm4b:s31+s2] =	stream.linear.scatter [tilespmem:s7], [sflag:$0x7], $0x4000, $0x38;
	[tilespmem:$0x18400] =	vst v63  }
0xbd: {  	_ =	swait.ge [sflag:s4], $0x4000  }
0xbe: {  	[sflag:s4] =	ssyncset.done $0x0  }
0xbf: {  	[sflag:s4] =	ssyncadd.s32 $0xFFFFC000  }
0xc0: {  	[tilespmem:s7], [sflag:$0x1] =	stream.indirect.gather [hbm4b:s8+s19], $0x80, s25, s19, $0xb8;
	[tilespmem:$0x18400] =	vst v63  }
0xc1: {  	_ =	swait.ge [sflag:s9], $0x4000  }
0xc2: {  	[sflag:s9] =	ssyncset.done $0x0  }
0xc3: {  	s1 =	rddreg [dreg:$0x4];
	[sflag:s9] =	ssyncadd.s32 $0xFFFFC000  }
0xc4: {  	[hbm4b:s1+s2] =	stream.linear.scatter [tilespmem:s6], [sflag:$0x8], $0x4000, $0x38;
	[tilespmem:$0x18400] =	vst v63  }
0xc5: {  	_ =	swait.ge [sflag:s5], $0x4000  }
0xc6: {  	[sflag:s5] =	ssyncset.done $0x0  }
0xc7: {  	[sflag:s5] =	ssyncadd.s32 $0xFFFFC000  }
0xc8: {  	[tilespmem:s6], [sflag:$0x2] =	stream.indirect.gather [hbm4b:s8+s19], $0x80, s24, s19, $0xb8;
	[tilespmem:$0x18400] =	vst v63  }
0xc9: {  	_ =	swait.ge [sflag:s23], $0x4000  }
0xca: {  	[sflag:s23] =	ssyncset.done $0x0  }
0xcb: {  	s25 =	rddreg [dreg:$0x5];
	[sflag:s23] =	ssyncadd.s32 $0xFFFFC000  }
0xcc: {  	[hbm4b:s25+s2] =	stream.linear.scatter [tilespmem:s18], [sflag:$0x9], $0x4000, $0x38;
	[tilespmem:$0x18400] =	vst v63  }
0xcd: {  	_ =	swait.ge [sflag:s22], $0x4000  }
0xce: {  	[sflag:s22] =	ssyncset.done $0x0  }
0xcf: {  	s26 =	rddreg [dreg:$0x6];
	[sflag:s22] =	ssyncadd.s32 $0xFFFFC000  }
0xd0: {  	[hbm4b:s26+s2] =	stream.linear.scatter [tilespmem:s17], [sflag:$0xA], $0x4000, $0x38;
	[tilespmem:$0x18400] =	vst v63  }
0xd1: {  	_ =	swait.ge [sflag:s21], $0x4000  }
0xd2: {  	[sflag:s21] =	ssyncset.done $0x0  }
0xd3: {  	s28 =	rddreg [dreg:$0x7];
	[sflag:s21] =	ssyncadd.s32 $0xFFFFC000  }
0xd4: {  	[hbm4b:s28+s2] =	stream.linear.scatter [tilespmem:s16], [sflag:$0xB], $0x4000, $0x38;
	[tilespmem:$0x18400] =	vst v63  }
0xd5: {  	_ =	swait.ge [sflag:s20], $0x4000  }
0xd6: {  	[sflag:s20] =	ssyncset.done $0x0  }
0xd7: {  	s29 =	rddreg [dreg:$0x8];
	[sflag:s20] =	ssyncadd.s32 $0xFFFFC000  }
0xd8: {  	[hbm4b:s29+s2] =	stream.linear.scatter [tilespmem:s13], [sflag:$0xC], $0x4000, $0x38;
	[tilespmem:$0x18400] =	vst v63  }
0xd9: {  	_ =	swait.ge [sflag:s11], $0x4000  }
0xda: {  	[sflag:s11] =	ssyncset.done $0x0  }
0xdb: {  	s30 =	rddreg [dreg:$0x9];
	[sflag:s11] =	ssyncadd.s32 $0xFFFFC000  }
0xdc: {  	[hbm4b:s30+s2] =	stream.linear.scatter [tilespmem:s7], [sflag:$0x7], $0x4000, $0x38;
	[tilespmem:$0x18400] =	vst v63  }
0xdd: {  	_ =	swait.ge [sflag:s9], $0x4000  }
0xde: {  	[sflag:s9] =	ssyncset.done $0x0  }
0xdf: {  	[sflag:s9] =	ssyncadd.s32 $0xFFFFC000  }
0xe0: {  	[hbm4b:s3+s2] =	stream.linear.scatter [tilespmem:s6], [sflag:$0x8], $0x4000, $0x38;
	[tilespmem:$0x18400] =	vst v63  }
0xe1: {  	_ =	swait.ge [sflag:s15], $0x4000  }
0xe2: {  	[sflag:s15] =	ssyncset.done $0x0  }
0xe3: {  	[sflag:s15] =	ssyncadd.s32 $0xFFFFC000  }
0xe4: {  	_ =	swait.ge [sflag:s14], $0x4000  }
0xe5: {  	[sflag:s14] =	ssyncset.done $0x0  }
0xe6: {  	[sflag:s14] =	ssyncadd.s32 $0xFFFFC000  }
0xe7: {  	_ =	swait.ge [sflag:s12], $0x4000  }
0xe8: {  	[sflag:s12] =	ssyncset.done $0x0  }
0xe9: {  	[sflag:s12] =	ssyncadd.s32 $0xFFFFC000  }
0xea: {  	_ =	swait.ge [sflag:s10], $0x4000  }
0xeb: {  	[sflag:s10] =	ssyncset.done $0x0  }
0xec: {  	[sflag:s10] =	ssyncadd.s32 $0xFFFFC000  }
0xed: {  	_ =	swait.ge [sflag:s4], $0x4000  }
0xee: {  	[sflag:s4] =	ssyncset.done $0x0  }
0xef: {  	[sflag:s4] =	ssyncadd.s32 $0xFFFFC000  }
0xf0: {  	_ =	swait.ge [sflag:s5], $0x4000  }
0xf1: {  	[sflag:s5] =	ssyncset.done $0x0  }
0xf2: {  	[sflag:s5] =	ssyncadd.s32 $0xFFFFC000  }
0xf3: {  	_ =	sfence.sel $0x180000  }
0xf4: {  	[bflag:$0x0] =	sbarrier.arrive $0xFFFF  }
0xf5: {  	_ =	strace $0x90000047  }
0xf6: {  	s31 =	stileid.u32;
	[bflag:$0x2] =	sbarrier.arrive $0xFFFF  }
0xf7: {  	p0 =	sne.s32 s31, $0x0;
	s0 =	rddreg [dreg:$0x1]  }
0xf8: {  	s0 =	sadd.s32 @!p0 $0x100000, s0  }
0xf9: {  	[sflag:s0] =	ssyncadd.tile.s32 @!p0 $0x1;
	_ =	shalt  }
.Lfunc_end2:
_tile_overlayer_lowered:
.L_overlay_start_2:
0xfa: {  	(tag) =	ssettag $0x2  }
0xfb: {  	s0 =	rddreg [dreg:$0x0];
	s2 =	stileid.u32  }
0xfc: {  	s1 =	rddreg [dreg:$0x1];
	p0 =	sne.s32 s2, $0x0  }
0xfd: {  	s3 =	rddreg [dreg:$0x2];
	[bflag:$0x3] =	sbarrier.arrive $0xFFFF;
	s2 =	simm.s32 @!p0 $0x1C0D  }
0xfe: {  	[timem:s3], [sflag:s2] =	dma.local @!p0 [hbm:s0], s1  }
0xff: {  	s0 =	simm.s32 @!p0 $0xD  }
0x100: {  	_ =	swait.ge @!p0 [sflag:s0], s1  }
0x101: {  	s1 =	ssub.s32 @!p0 $0x0, s1;
	[sflag:s0] =	ssyncset.done @!p0 $0x0  }
0x102: {  	[sflag:s0] =	ssyncadd.s32 @!p0 s1  }
0x103: {  	[bflag:$0x3] =	sbarrier.arrive $0xFFFF  }
0x104: {  	_ =	shalt  }

</sc_bundles>
